<compile_context>
chip_gen: v7x
topology: tpu7x:2x2x1
jax: 0.10.2.dev20260603
libtpu: 0.0.44.dev20260713+nightly
codegen_flags: <defaults>
</compile_context>

<pallas_src>
import functools

import jax
import jax.numpy as jnp
from jax import lax
from jax.experimental import pallas as pl
from jax.experimental.pallas import tpu as pltpu
from jax.experimental.pallas import tpu_sc as plsc

N = 10000
E = 320000
D_NODE = 128
D_EDGE = 16
D_EOUT = 16
D_NOUT = 128
H = 64

NC = 2
NS = 16
NW = NC * NS
EPW = E // NW
CHUNK = 40
NCHUNK = EPW // CHUNK
NPAD = 10240
NPW = NPAD // NS

_mesh = plsc.VectorSubcoreMesh(
    core_axis_name="c", subcore_axis_name="s", num_cores=NC, num_subcores=NS
)


def _proj_body(nf_ref, w_ref, t_ref):
    t_ref[...] = jnp.dot(nf_ref[...], w_ref[...],
                         preferred_element_type=jnp.float32)


def _proj(nf, w):
    bn = 2000
    return pl.pallas_call(
        _proj_body,
        grid=(N // bn,),
        in_specs=[
            pl.BlockSpec((bn, D_NODE), lambda i: (i, 0)),
            pl.BlockSpec((D_NODE, 2 * H), lambda i: (0, 0)),
        ],
        out_specs=pl.BlockSpec((bn, 2 * H), lambda i: (i, 0)),
        out_shape=jax.ShapeDtypeStruct((N, 2 * H), jnp.float32),
    )(nf, w)


NBUF = 2
NGRP = NCHUNK // NBUF


@functools.partial(
    pl.kernel,
    out_type=jax.ShapeDtypeStruct((E, H), jnp.float32),
    mesh=_mesh,
    scratch_types=(
        [pltpu.VMEM((NCHUNK, CHUNK), jnp.int32)] * 2
        + [pltpu.VMEM((CHUNK, 2 * H), jnp.float32)] * (2 * NBUF)
        + [pltpu.VMEM((CHUNK, H), jnp.float32)] * NBUF
        + [pltpu.SemaphoreType.DMA] * (3 * NBUF)
    ),
)
def _gather_kernel(t_hbm, src_hbm, dst_hbm, g_hbm, *scratch):
    src_v, dst_v = scratch[0], scratch[1]
    rows_s = scratch[2:2 + NBUF]
    rows_d = scratch[2 + NBUF:2 + 2 * NBUF]
    gbuf = scratch[2 + 2 * NBUF:2 + 3 * NBUF]
    sem_s = scratch[2 + 3 * NBUF:2 + 4 * NBUF]
    sem_d = scratch[2 + 4 * NBUF:2 + 5 * NBUF]
    sem_w = scratch[2 + 5 * NBUF:2 + 6 * NBUF]

    cid = lax.axis_index("c")
    sid = lax.axis_index("s")
    wid = sid * NC + cid
    pltpu.sync_copy(src_hbm.at[wid], src_v)
    pltpu.sync_copy(dst_hbm.at[wid], dst_v)

    for b in range(NBUF):
        pltpu.async_copy(t_hbm.at[src_v.at[b]], rows_s[b], sem_s[b])
        pltpu.async_copy(t_hbm.at[dst_v.at[b]], rows_d[b], sem_d[b])

    def group(g, carry):
        for b in range(NBUF):
            c = g * NBUF + b
            pltpu.make_async_copy(t_hbm.at[pl.ds(0, CHUNK)],
                                  rows_s[b], sem_s[b]).wait()
            pltpu.make_async_copy(t_hbm.at[pl.ds(0, CHUNK)],
                                  rows_d[b], sem_d[b]).wait()

            @pl.when(g > 0)
            def _():
                pltpu.make_async_copy(g_hbm.at[pl.ds(0, CHUNK)],
                                      gbuf[b], sem_w[b]).wait()

            def add_row(i, acc, _b=b):
                for r in range(2):
                    for j in range(H // 16):
                        sl = pl.ds(j * 16, 16)
                        sl_hi = pl.ds(H + j * 16, 16)
                        gbuf[_b][2 * i + r, sl] = (
                            rows_s[_b][2 * i + r, sl]
                            + rows_d[_b][2 * i + r, sl_hi])
                return acc

            lax.fori_loop(0, CHUNK // 2, add_row, 0)
            eoff = wid * EPW + c * CHUNK
            pltpu.async_copy(gbuf[b], g_hbm.at[pl.ds(eoff, CHUNK)], sem_w[b])

            @pl.when(g < NGRP - 1)
            def _():
                cn = c + NBUF
                pltpu.async_copy(t_hbm.at[src_v.at[cn]], rows_s[b], sem_s[b])
                pltpu.async_copy(t_hbm.at[dst_v.at[cn]], rows_d[b], sem_d[b])
        return carry

    lax.fori_loop(0, NGRP, group, 0)
    for b in range(NBUF):
        pltpu.make_async_copy(g_hbm.at[pl.ds(0, CHUNK)], gbuf[b],
                              sem_w[b]).wait()


def _edge_mlp_body(ef_ref, g_ref, w1_ref, b1_ref, w2_ref, b2_ref,
                   w3_ref, b3_ref, out_ref, outp_ref):
    be = ef_ref.shape[0]
    h1 = jnp.dot(ef_ref[...].astype(jnp.bfloat16), w1_ref[...],
                 preferred_element_type=jnp.float32)
    h1 = jnp.maximum(h1 + g_ref[...] + b1_ref[...], 0.0)
    h2 = jnp.dot(h1.astype(jnp.bfloat16), w2_ref[...],
                 preferred_element_type=jnp.float32)
    h2 = jnp.maximum(h2 + b2_ref[...], 0.0)
    h3 = jnp.dot(h2.astype(jnp.bfloat16), w3_ref[...],
                 preferred_element_type=jnp.float32)
    h3 = jnp.maximum(h3 + b3_ref[...], 0.0)
    out_ref[...] = h3
    h3r = h3.reshape(be // 8, 8, D_EOUT)
    for j in range(8):
        outp_ref[:, j * D_EOUT:(j + 1) * D_EOUT] = h3r[:, j, :]


def _edge_mlp(ef, g, w1, b1, w2, b2, w3, b3):
    be = 3200
    wspec = lambda r, c: pl.BlockSpec((r, c), lambda i: (0, 0))
    return pl.pallas_call(
        _edge_mlp_body,
        grid=(E // be,),
        in_specs=[
            pl.BlockSpec((be, D_EDGE), lambda i: (i, 0)),
            pl.BlockSpec((be, H), lambda i: (i, 0)),
            wspec(D_EDGE, H), wspec(1, H),
            wspec(H, H), wspec(1, H),
            wspec(H, D_EOUT), wspec(1, D_EOUT),
        ],
        out_specs=[
            pl.BlockSpec((be, D_EOUT), lambda i: (i, 0)),
            pl.BlockSpec((be // 8, 8 * D_EOUT), lambda i: (i, 0)),
        ],
        out_shape=[
            jax.ShapeDtypeStruct((E, D_EOUT), jnp.float32),
            jax.ShapeDtypeStruct((E // 8, 8 * D_EOUT), jnp.float32),
        ],
    )(ef, g, w1, b1, w2, b2, w3, b3)


NBLK = 10
CPB = EPW * D_EOUT // (NBLK * 128)
FPB = CPB * 128
BPB = FPB // D_EOUT
SLICE = NPAD * D_EOUT // NS


@functools.partial(
    pl.kernel,
    out_type=jax.ShapeDtypeStruct((NC, NPAD * D_EOUT), jnp.float32),
    mesh=_mesh,
    scratch_types=[
        pltpu.VMEM((FPB,), jnp.float32),
        pltpu.VMEM((CPB, 128), jnp.int32),
        pltpu.VMEM((SLICE,), jnp.float32),
        pltpu.VMEM_SHARED((NPAD * D_EOUT,), jnp.float32),
        pltpu.SemaphoreType.DMA,
    ],
)
def _scatter_kernel(uef_hbm, idx_hbm, out_hbm, flat_v, idxf_v,
                    stage_v, agg_sh, sem):
    cid = lax.axis_index("c")
    sid = lax.axis_index("s")
    wid = sid * NC + cid

    def zrow(i, carry):
        stage_v[pl.ds(i * 16, 16)] = jnp.zeros((16,), jnp.float32)
        return carry

    lax.fori_loop(0, SLICE // 16, zrow, 0)
    pltpu.sync_copy(stage_v, agg_sh.at[pl.ds(sid * SLICE, SLICE)])
    plsc.subcore_barrier()

    def blk(b, carry):
        foff = wid * (EPW * D_EOUT) + b * FPB
        pltpu.sync_copy(uef_hbm.at[pl.ds(foff, FPB)], flat_v)
        pltpu.sync_copy(idx_hbm.at[wid].at[b], idxf_v)

        def chnk(k, c2):
            pltpu.async_copy(flat_v.at[pl.ds(k * 128, 128)],
                             agg_sh.at[idxf_v.at[k]], sem, add=True)
            return c2

        lax.fori_loop(0, CPB, chnk, 0)
        pltpu.make_async_copy(uef_hbm.at[pl.ds(foff, FPB)], flat_v, sem).wait()
        return carry

    lax.fori_loop(0, NBLK, blk, 0)
    plsc.subcore_barrier()

    pltpu.sync_copy(agg_sh.at[pl.ds(sid * SLICE, SLICE)], stage_v)
    pltpu.sync_copy(stage_v, out_hbm.at[cid].at[pl.ds(sid * SLICE, SLICE)])


def _node_mlp_body(pp_ref, nf_ref, wa_ref, wb_ref, b1_ref, w2_ref, b2_ref,
                   w3_ref, b3_ref, out_ref):
    agg = pp_ref[0] + pp_ref[1]
    h1 = (jnp.dot(agg, wa_ref[...], preferred_element_type=jnp.float32)
          + jnp.dot(nf_ref[...], wb_ref[...], preferred_element_type=jnp.float32))
    h1 = jnp.maximum(h1 + b1_ref[...], 0.0)
    h2 = jnp.dot(h1, w2_ref[...], preferred_element_type=jnp.float32)
    h2 = jnp.maximum(h2 + b2_ref[...], 0.0)
    h3 = jnp.dot(h2, w3_ref[...], preferred_element_type=jnp.float32)
    out_ref[...] = jnp.maximum(h3 + b3_ref[...], 0.0)


def _node_mlp(pp, nf, wa, wb, b1, w2, b2, w3, b3):
    bn = 2000
    wspec = lambda r, c: pl.BlockSpec((r, c), lambda i: (0, 0))
    return pl.pallas_call(
        _node_mlp_body,
        grid=(N // bn,),
        in_specs=[
            pl.BlockSpec((NC, bn, D_EOUT), lambda i: (0, i, 0)),
            pl.BlockSpec((bn, D_NODE), lambda i: (i, 0)),
            wspec(D_EOUT, H), wspec(D_NODE, H), wspec(1, H),
            wspec(H, H), wspec(1, H),
            wspec(H, D_NOUT), wspec(1, D_NOUT),
        ],
        out_specs=pl.BlockSpec((bn, D_NOUT), lambda i: (i, 0)),
        out_shape=jax.ShapeDtypeStruct((N, D_NOUT), jnp.float32),
    )(pp, nf, wa, wb, b1, w2, b2, w3, b3)


def kernel(nf, ef, edge_index, We1, be1, We2, be2, We3, be3,
           Wn1, bn1, Wn2, bn2, Wn3, bn3):
    src = edge_index[0].astype(jnp.int32).reshape(NW, NCHUNK, CHUNK)
    dst = edge_index[1].astype(jnp.int32).reshape(NW, NCHUNK, CHUNK)
    we1e = We1[:D_EDGE]
    we1sd = jnp.concatenate([We1[D_EDGE:D_EDGE + D_NODE],
                             We1[D_EDGE + D_NODE:]], axis=1)
    wn1a = Wn1[:D_EOUT]
    wn1b = Wn1[D_EOUT:]

    t = _proj(nf, we1sd)
    g = _gather_kernel(t, src, dst)
    u_ef, u_ef_pk = _edge_mlp(ef, g, we1e.astype(jnp.bfloat16),
                              be1.reshape(1, -1), We2.astype(jnp.bfloat16),
                              be2.reshape(1, -1), We3.astype(jnp.bfloat16),
                              be3.reshape(1, -1))
    uef_flat = u_ef_pk.reshape(E * D_EOUT)
    dst_flat = edge_index[1].astype(jnp.int32)
    idx_elem = (dst_flat.reshape(E // 8, 8, 1) * D_EOUT
                + jnp.arange(D_EOUT, dtype=jnp.int32).reshape(1, 1, D_EOUT))
    idx_elem = idx_elem.reshape(NW, NBLK, CPB, 128)
    partials = _scatter_kernel(uef_flat, idx_elem)
    partials = partials.reshape(NC, NPAD, D_EOUT)
    u_nf = _node_mlp(partials, nf, wn1a, wn1b, bn1.reshape(1, -1),
                     Wn2, bn2.reshape(1, -1), Wn3, bn3.reshape(1, -1))
    return (u_nf, u_ef)

# --- scband reference (transcript-rebuilt; emitter-appended) ---
"""Pipeline reference for scband-mpnnlayer-64424509440353 (READ-ONLY COPY).

The authoritative reference and input builder live on the scoring server;
editing this copy changes nothing except your own understanding.
"""

import jax, jax.numpy as jnp
import numpy as np

N = 10000
E = 320000
D_NODE = 128
D_EDGE = 16
D_EOUT = 16
D_NOUT = 128
H = 64


def setup_inputs(seed: int = 0) -> dict:
    key = jax.random.key(seed)
    ks = jax.random.split(key, 16)
    nf = jax.random.normal(ks[0], (N, D_NODE), dtype=jnp.float32)
    ef = jax.random.normal(ks[1], (E, D_EDGE), dtype=jnp.float32)
    edge_index = jax.random.randint(ks[2], (2, E), 0, N, dtype=jnp.int64)
    em_in = D_EDGE + 2 * D_NODE  # 272
    nm_in = D_EOUT + D_NODE      # 144
    s = 0.05
    inp = {
        "nf": nf,
        "ef": ef,
        "edge_index": edge_index,
        "We1": jax.random.normal(ks[3], (em_in, H), dtype=jnp.float32) * s,
        "be1": jnp.zeros((H,), dtype=jnp.float32),
        "We2": jax.random.normal(ks[4], (H, H), dtype=jnp.float32) * s,
        "be2": jnp.zeros((H,), dtype=jnp.float32),
        "We3": jax.random.normal(ks[5], (H, D_EOUT), dtype=jnp.float32) * s,
        "be3": jnp.zeros((D_EOUT,), dtype=jnp.float32),
        "Wn1": jax.random.normal(ks[6], (nm_in, H), dtype=jnp.float32) * s,
        "bn1": jnp.zeros((H,), dtype=jnp.float32),
        "Wn2": jax.random.normal(ks[7], (H, H), dtype=jnp.float32) * s,
        "bn2": jnp.zeros((H,), dtype=jnp.float32),
        "Wn3": jax.random.normal(ks[8], (H, D_NOUT), dtype=jnp.float32) * s,
        "bn3": jnp.zeros((D_NOUT,), dtype=jnp.float32),
    }
    return inp


def _mlp(x, W1, b1, W2, b2, W3, b3):
    # MLP with hidden [64, 64], ReLU activations, ReLU out_activation
    h = jax.nn.relu(x @ W1 + b1)
    h = jax.nn.relu(h @ W2 + b2)
    return jax.nn.relu(h @ W3 + b3)


def reference(nf, ef, edge_index, We1, be1, We2, be2, We3, be3, Wn1, bn1, Wn2, bn2, Wn3, bn3):
    src = edge_index[0]
    dst = edge_index[1]
    # edge model: concat(edge_feat, src_node_feat, dst_node_feat)
    em_input = jnp.concatenate([ef, jnp.take(nf, src, axis=0), jnp.take(nf, dst, axis=0)], axis=-1)
    u_ef = _mlp(em_input, We1, be1, We2, be2, We3, be3)  # [E, D_EOUT]
    # node aggregator: sum of incoming updated edge features
    agg = jax.ops.segment_sum(u_ef, dst, num_segments=N)  # [N, D_EOUT]
    # node model: concat(aggregated_edge, node_feat)
    nm_input = jnp.concatenate([agg, nf], axis=-1)
    u_nf = _mlp(nm_input, Wn1, bn1, Wn2, bn2, Wn3, bn3)  # [N, D_NOUT]
    return (u_nf, u_ef)

if __name__ == "__main__":
    import jax
    _d = setup_inputs()
    print(jax.jit(kernel)(*tuple(_d.values())))

</pallas_src>

<mosaic_0001>
#map = affine_map<(d0, d1) -> (0)>
#map1 = affine_map<(d0, d1) -> (0, 0, 0, 0)>
#map2 = affine_map<(d0, d1) -> (0, 0)>
module attributes {stable_mosaic.version = 14 : i64} {
  func.func @_scatter_kernel(%arg0: i32, %arg1: i32, %arg2: memref<5120000xf32, #tpu.memory_space<hbm>>, %arg3: memref<32x10x125x128xi32, #tpu.memory_space<hbm>>, %arg4: memref<2x163840xf32, #tpu.memory_space<hbm>>, %arg5: memref<16000xf32, #tpu.memory_space<vmem>>, %arg6: memref<125x128xi32, #tpu.memory_space<vmem>>, %arg7: memref<10240xf32, #tpu.memory_space<vmem>>, %arg8: memref<163840xf32, #tpu.memory_space<vmem_shared>>, %arg9: memref<!tpu.dma_semaphore, #tpu.memory_space<semaphore_mem>>) attributes {dimension_semantics = [#tpu.dimension_semantics<core_parallel>, #tpu.dimension_semantics<subcore_parallel>], iteration_bounds = array<i64: 2, 16>, scalar_prefetch = 0 : i64, scratch_operands = 5 : i64, tpu.core_type = #tpu.core_type<sc_vector_subcore>, window_params = [{transform_indices = #map}, {transform_indices = #map1}, {transform_indices = #map2}]} {
    %mul3A = arith.constant 2 : i32
    %mul3A_0 = arith.muli %arg1, %mul3A : i32
    %add3A = arith.addi %mul3A_0, %arg0 : i32
    %scan3A = arith.constant 0 : i32
    %scan3A_1 = arith.constant 0 : i32
    %scan3A_2 = arith.constant 640 : i32
    %scan3A_3 = arith.addi %scan3A_1, %scan3A_2 : i32
    %scan3A_4 = arith.constant 1 : i32
    scf.for %scan3A_19 = %scan3A_1 to %scan3A_3 step %scan3A_4  : i32 {
      %broadcast_in_dim3A = arith.constant 0.000000e+00 : f32
      %broadcast_in_dim3A_20 = vector.broadcast %broadcast_in_dim3A : f32 to vector<16xf32>
      %mul3A_21 = arith.constant 16 : i32
      %mul3A_22 = arith.muli %scan3A_19, %mul3A_21 : i32
      %swap3A = arith.index_cast %mul3A_22 : i32 to index
      %swap3A_23 = tpu.vector_load %arg7[%swap3A] {strides = array<i32>} : memref<10240xf32, #tpu.memory_space<vmem>>, vector<16xf32>,
      %swap3A_24 = vector.shape_cast %swap3A_23 : vector<16xf32> to vector<16xf32>
      %swap3A_25 = vector.shape_cast %broadcast_in_dim3A_20 : vector<16xf32> to vector<16xf32>
      tpu.vector_store %arg7[%swap3A], %swap3A_25 {strides = array<i32>} : memref<10240xf32, #tpu.memory_space<vmem>>, vector<16xf32>,
    }
    %scan3A_5 = arith.constant 640 : i32
    %mul3A_6 = arith.constant 10240 : i32
    %mul3A_7 = arith.muli %arg1, %mul3A_6 : i32
    "tpu.region"() ({
      %run_scoped3A = tpu.sem_alloc : memref<!tpu.dma_semaphore, #tpu.memory_space<semaphore_mem>>
      %dma_start3A = tpu.memref_slice %arg8[%mul3A_7] : memref<163840xf32, #tpu.memory_space<vmem_shared>> -> memref<10240xf32, #tpu.memory_space<vmem_shared>>
      %dma_start3A_19 = tpu.memref_slice %arg8[%mul3A_7] : memref<163840xf32, #tpu.memory_space<vmem_shared>> -> memref<10240xf32, #tpu.memory_space<vmem_shared>>
      tpu.enqueue_dma source(%arg7 : memref<10240xf32, #tpu.memory_space<vmem>>) target(%dma_start3A_19 : memref<10240xf32, #tpu.memory_space<vmem_shared>>) target_semaphore(%run_scoped3A : memref<!tpu.dma_semaphore, #tpu.memory_space<semaphore_mem>>)
      %dma_wait3A = tpu.memref_slice %arg8[%mul3A_7] : memref<163840xf32, #tpu.memory_space<vmem_shared>> -> memref<10240xf32, #tpu.memory_space<vmem_shared>>
      %dma_wait3A_20 = tpu.memref_slice %arg8[%mul3A_7] : memref<163840xf32, #tpu.memory_space<vmem_shared>> -> memref<10240xf32, #tpu.memory_space<vmem_shared>>
      tpu.wait_dma2 semaphore(%run_scoped3A : memref<!tpu.dma_semaphore, #tpu.memory_space<semaphore_mem>>) src(%arg7 : memref<10240xf32, #tpu.memory_space<vmem>>) dst(%dma_wait3A_20 : memref<10240xf32, #tpu.memory_space<vmem_shared>>)
      tpu.yield
    }) : () -> ()
    %barrier3A = arith.constant 0 : index
    tpu.barrier barrier_id(%barrier3A)
    %scan3A_8 = arith.constant 0 : i32
    %scan3A_9 = arith.constant 0 : i32
    %scan3A_10 = arith.constant 10 : i32
    %scan3A_11 = arith.addi %scan3A_9, %scan3A_10 : i32
    %scan3A_12 = arith.constant 1 : i32
    scf.for %scan3A_19 = %scan3A_9 to %scan3A_11 step %scan3A_12  : i32 {
      %mul3A_20 = arith.constant 160000 : i32
      %mul3A_21 = arith.muli %add3A, %mul3A_20 : i32
      %mul3A_22 = arith.constant 16000 : i32
      %mul3A_23 = arith.muli %scan3A_19, %mul3A_22 : i32
      %add3A_24 = arith.addi %mul3A_21, %mul3A_23 : i32
      "tpu.region"() ({
        %run_scoped3A = tpu.sem_alloc : memref<!tpu.dma_semaphore, #tpu.memory_space<semaphore_mem>>
        %dma_start3A = tpu.memref_slice %arg2[%add3A_24] : memref<5120000xf32, #tpu.memory_space<hbm>> -> memref<16000xf32, #tpu.memory_space<hbm>>
        %dma_start3A_32 = tpu.memref_slice %arg2[%add3A_24] : memref<5120000xf32, #tpu.memory_space<hbm>> -> memref<16000xf32, #tpu.memory_space<hbm>>
        tpu.enqueue_dma source(%dma_start3A_32 : memref<16000xf32, #tpu.memory_space<hbm>>) target(%arg5 : memref<16000xf32, #tpu.memory_space<vmem>>) target_semaphore(%run_scoped3A : memref<!tpu.dma_semaphore, #tpu.memory_space<semaphore_mem>>)
        %dma_wait3A_33 = tpu.memref_slice %arg2[%add3A_24] : memref<5120000xf32, #tpu.memory_space<hbm>> -> memref<16000xf32, #tpu.memory_space<hbm>>
        %dma_wait3A_34 = tpu.memref_slice %arg2[%add3A_24] : memref<5120000xf32, #tpu.memory_space<hbm>> -> memref<16000xf32, #tpu.memory_space<hbm>>
        tpu.wait_dma2 semaphore(%run_scoped3A : memref<!tpu.dma_semaphore, #tpu.memory_space<semaphore_mem>>) src(%dma_wait3A_34 : memref<16000xf32, #tpu.memory_space<hbm>>) dst(%arg5 : memref<16000xf32, #tpu.memory_space<vmem>>)
        tpu.yield
      }) : () -> ()
      "tpu.region"() ({
        %run_scoped3A = tpu.sem_alloc : memref<!tpu.dma_semaphore, #tpu.memory_space<semaphore_mem>>
        %dma_start3A = arith.constant 0 : i32
        %dma_start3A_32 = arith.constant 0 : i32
        %dma_start3A_33 = arith.constant 0 : i32
        %dma_start3A_34 = tpu.memref_slice %arg3[%add3A, %dma_start3A, %dma_start3A_32, %dma_start3A_33] : memref<32x10x125x128xi32, #tpu.memory_space<hbm>> -> memref<1x10x125x128xi32, #tpu.memory_space<hbm>>
        %dma_start3A_35 = tpu.memref_squeeze %dma_start3A_34 : memref<1x10x125x128xi32, #tpu.memory_space<hbm>> -> memref<10x125x128xi32, #tpu.memory_space<hbm>>
        %dma_start3A_36 = arith.constant 0 : i32
        %dma_start3A_37 = arith.constant 0 : i32
        %dma_start3A_38 = tpu.memref_slice %dma_start3A_35[%scan3A_19, %dma_start3A_36, %dma_start3A_37] : memref<10x125x128xi32, #tpu.memory_space<hbm>> -> memref<1x125x128xi32, #tpu.memory_space<hbm>>
        %dma_start3A_39 = tpu.memref_squeeze %dma_start3A_38 : memref<1x125x128xi32, #tpu.memory_space<hbm>> -> memref<125x128xi32, #tpu.memory_space<hbm>>
        %dma_start3A_40 = arith.constant 0 : i32
        %dma_start3A_41 = arith.constant 0 : i32
        %dma_start3A_42 = arith.constant 0 : i32
        %dma_start3A_43 = tpu.memref_slice %arg3[%add3A, %dma_start3A_40, %dma_start3A_41, %dma_start3A_42] : memref<32x10x125x128xi32, #tpu.memory_space<hbm>> -> memref<1x10x125x128xi32, #tpu.memory_space<hbm>>
        %dma_start3A_44 = tpu.memref_squeeze %dma_start3A_43 : memref<1x10x125x128xi32, #tpu.memory_space<hbm>> -> memref<10x125x128xi32, #tpu.memory_space<hbm>>
        %dma_start3A_45 = arith.constant 0 : i32
        %dma_start3A_46 = arith.constant 0 : i32
        %dma_start3A_47 = tpu.memref_slice %dma_start3A_44[%scan3A_19, %dma_start3A_45, %dma_start3A_46] : memref<10x125x128xi32, #tpu.memory_space<hbm>> -> memref<1x125x128xi32, #tpu.memory_space<hbm>>
        %dma_start3A_48 = tpu.memref_squeeze %dma_start3A_47 : memref<1x125x128xi32, #tpu.memory_space<hbm>> -> memref<125x128xi32, #tpu.memory_space<hbm>>
        tpu.enqueue_dma source(%dma_start3A_48 : memref<125x128xi32, #tpu.memory_space<hbm>>) target(%arg6 : memref<125x128xi32, #tpu.memory_space<vmem>>) target_semaphore(%run_scoped3A : memref<!tpu.dma_semaphore, #tpu.memory_space<semaphore_mem>>)
        %dma_wait3A_49 = arith.constant 0 : i32
        %dma_wait3A_50 = arith.constant 0 : i32
        %dma_wait3A_51 = arith.constant 0 : i32
        %dma_wait3A_52 = tpu.memref_slice %arg3[%add3A, %dma_wait3A_49, %dma_wait3A_50, %dma_wait3A_51] : memref<32x10x125x128xi32, #tpu.memory_space<hbm>> -> memref<1x10x125x128xi32, #tpu.memory_space<hbm>>
        %dma_wait3A_53 = tpu.memref_squeeze %dma_wait3A_52 : memref<1x10x125x128xi32, #tpu.memory_space<hbm>> -> memref<10x125x128xi32, #tpu.memory_space<hbm>>
        %dma_wait3A_54 = arith.constant 0 : i32
        %dma_wait3A_55 = arith.constant 0 : i32
        %dma_wait3A_56 = tpu.memref_slice %dma_wait3A_53[%scan3A_19, %dma_wait3A_54, %dma_wait3A_55] : memref<10x125x128xi32, #tpu.memory_space<hbm>> -> memref<1x125x128xi32, #tpu.memory_space<hbm>>
        %dma_wait3A_57 = tpu.memref_squeeze %dma_wait3A_56 : memref<1x125x128xi32, #tpu.memory_space<hbm>> -> memref<125x128xi32, #tpu.memory_space<hbm>>
        %dma_wait3A_58 = arith.constant 0 : i32
        %dma_wait3A_59 = arith.constant 0 : i32
        %dma_wait3A_60 = arith.constant 0 : i32
        %dma_wait3A_61 = tpu.memref_slice %arg3[%add3A, %dma_wait3A_58, %dma_wait3A_59, %dma_wait3A_60] : memref<32x10x125x128xi32, #tpu.memory_space<hbm>> -> memref<1x10x125x128xi32, #tpu.memory_space<hbm>>
        %dma_wait3A_62 = tpu.memref_squeeze %dma_wait3A_61 : memref<1x10x125x128xi32, #tpu.memory_space<hbm>> -> memref<10x125x128xi32, #tpu.memory_space<hbm>>
        %dma_wait3A_63 = arith.constant 0 : i32
        %dma_wait3A_64 = arith.constant 0 : i32
        %dma_wait3A_65 = tpu.memref_slice %dma_wait3A_62[%scan3A_19, %dma_wait3A_63, %dma_wait3A_64] : memref<10x125x128xi32, #tpu.memory_space<hbm>> -> memref<1x125x128xi32, #tpu.memory_space<hbm>>
        %dma_wait3A_66 = tpu.memref_squeeze %dma_wait3A_65 : memref<1x125x128xi32, #tpu.memory_space<hbm>> -> memref<125x128xi32, #tpu.memory_space<hbm>>
        tpu.wait_dma2 semaphore(%run_scoped3A : memref<!tpu.dma_semaphore, #tpu.memory_space<semaphore_mem>>) src(%dma_wait3A_66 : memref<125x128xi32, #tpu.memory_space<hbm>>) dst(%arg6 : memref<125x128xi32, #tpu.memory_space<vmem>>)
        tpu.yield
      }) : () -> ()
      %scan3A_25 = arith.constant 0 : i32
      %scan3A_26 = arith.constant 0 : i32
      %scan3A_27 = arith.constant 125 : i32
      %scan3A_28 = arith.addi %scan3A_26, %scan3A_27 : i32
      %scan3A_29 = arith.constant 1 : i32
      scf.for %scan3A_32 = %scan3A_26 to %scan3A_28 step %scan3A_29  : i32 {
        %mul3A_33 = arith.constant 128 : i32
        %mul3A_34 = arith.muli %scan3A_32, %mul3A_33 : i32
        %dma_start3A = tpu.memref_slice %arg5[%mul3A_34] : memref<16000xf32, #tpu.memory_space<vmem>> -> memref<128xf32, #tpu.memory_space<vmem>>
        %dma_start3A_35 = arith.constant 0 : i32
        %dma_start3A_36 = tpu.memref_slice %arg6[%scan3A_32, %dma_start3A_35] : memref<125x128xi32, #tpu.memory_space<vmem>> -> memref<1x128xi32, #tpu.memory_space<vmem>>
        %dma_start3A_37 = tpu.memref_squeeze %dma_start3A_36 : memref<1x128xi32, #tpu.memory_space<vmem>> -> memref<128xi32, #tpu.memory_space<vmem>>
        %dma_start3A_38 = arith.constant 0 : i32
        %dma_start3A_39 = tpu.memref_slice %arg8[%dma_start3A_38] : memref<163840xf32, #tpu.memory_space<vmem_shared>> -> memref<163840xf32, #tpu.memory_space<vmem_shared>>
        tpu.enqueue_indirect_dma source(%dma_start3A : memref<128xf32, #tpu.memory_space<vmem>>) target(%dma_start3A_39 : memref<163840xf32, #tpu.memory_space<vmem_shared>>) offsets(%dma_start3A_37 : memref<128xi32, #tpu.memory_space<vmem>>) semaphore(%arg9 : memref<!tpu.dma_semaphore, #tpu.memory_space<semaphore_mem>>) {add = true}
      }
      %scan3A_30 = arith.constant 125 : i32
      %dma_wait3A = tpu.memref_slice %arg2[%add3A_24] : memref<5120000xf32, #tpu.memory_space<hbm>> -> memref<16000xf32, #tpu.memory_space<hbm>>
      %dma_wait3A_31 = tpu.memref_slice %arg2[%add3A_24] : memref<5120000xf32, #tpu.memory_space<hbm>> -> memref<16000xf32, #tpu.memory_space<hbm>>
      tpu.wait_dma2 semaphore(%arg9 : memref<!tpu.dma_semaphore, #tpu.memory_space<semaphore_mem>>) src(%dma_wait3A_31 : memref<16000xf32, #tpu.memory_space<hbm>>) dst(%arg5 : memref<16000xf32, #tpu.memory_space<vmem>>)
    }
    %scan3A_13 = arith.constant 10 : i32
    %barrier3A_14 = arith.constant 0 : index
    tpu.barrier barrier_id(%barrier3A_14)
    %mul3A_15 = arith.constant 10240 : i32
    %mul3A_16 = arith.muli %arg1, %mul3A_15 : i32
    "tpu.region"() ({
      %run_scoped3A = tpu.sem_alloc : memref<!tpu.dma_semaphore, #tpu.memory_space<semaphore_mem>>
      %dma_start3A = tpu.memref_slice %arg8[%mul3A_16] : memref<163840xf32, #tpu.memory_space<vmem_shared>> -> memref<10240xf32, #tpu.memory_space<vmem_shared>>
      %dma_start3A_19 = tpu.memref_slice %arg8[%mul3A_16] : memref<163840xf32, #tpu.memory_space<vmem_shared>> -> memref<10240xf32, #tpu.memory_space<vmem_shared>>
      tpu.enqueue_dma source(%dma_start3A_19 : memref<10240xf32, #tpu.memory_space<vmem_shared>>) target(%arg7 : memref<10240xf32, #tpu.memory_space<vmem>>) target_semaphore(%run_scoped3A : memref<!tpu.dma_semaphore, #tpu.memory_space<semaphore_mem>>)
      %dma_wait3A = tpu.memref_slice %arg8[%mul3A_16] : memref<163840xf32, #tpu.memory_space<vmem_shared>> -> memref<10240xf32, #tpu.memory_space<vmem_shared>>
      %dma_wait3A_20 = tpu.memref_slice %arg8[%mul3A_16] : memref<163840xf32, #tpu.memory_space<vmem_shared>> -> memref<10240xf32, #tpu.memory_space<vmem_shared>>
      tpu.wait_dma2 semaphore(%run_scoped3A : memref<!tpu.dma_semaphore, #tpu.memory_space<semaphore_mem>>) src(%dma_wait3A_20 : memref<10240xf32, #tpu.memory_space<vmem_shared>>) dst(%arg7 : memref<10240xf32, #tpu.memory_space<vmem>>)
      tpu.yield
    }) : () -> ()
    %mul3A_17 = arith.constant 10240 : i32
    %mul3A_18 = arith.muli %arg1, %mul3A_17 : i32
    "tpu.region"() ({
      %run_scoped3A = tpu.sem_alloc : memref<!tpu.dma_semaphore, #tpu.memory_space<semaphore_mem>>
      %dma_start3A = arith.constant 0 : i32
      %dma_start3A_19 = tpu.memref_slice %arg4[%arg0, %dma_start3A] : memref<2x163840xf32, #tpu.memory_space<hbm>> -> memref<1x163840xf32, #tpu.memory_space<hbm>>
      %dma_start3A_20 = tpu.memref_squeeze %dma_start3A_19 : memref<1x163840xf32, #tpu.memory_space<hbm>> -> memref<163840xf32, #tpu.memory_space<hbm>>
      %dma_start3A_21 = tpu.memref_slice %dma_start3A_20[%mul3A_18] : memref<163840xf32, #tpu.memory_space<hbm>> -> memref<10240xf32, #tpu.memory_space<hbm>>
      %dma_start3A_22 = arith.constant 0 : i32
      %dma_start3A_23 = tpu.memref_slice %arg4[%arg0, %dma_start3A_22] : memref<2x163840xf32, #tpu.memory_space<hbm>> -> memref<1x163840xf32, #tpu.memory_space<hbm>>
      %dma_start3A_24 = tpu.memref_squeeze %dma_start3A_23 : memref<1x163840xf32, #tpu.memory_space<hbm>> -> memref<163840xf32, #tpu.memory_space<hbm>>
      %dma_start3A_25 = tpu.memref_slice %dma_start3A_24[%mul3A_18] : memref<163840xf32, #tpu.memory_space<hbm>> -> memref<10240xf32, #tpu.memory_space<hbm>>
      tpu.enqueue_dma source(%arg7 : memref<10240xf32, #tpu.memory_space<vmem>>) target(%dma_start3A_25 : memref<10240xf32, #tpu.memory_space<hbm>>) target_semaphore(%run_scoped3A : memref<!tpu.dma_semaphore, #tpu.memory_space<semaphore_mem>>)
      %dma_wait3A = arith.constant 0 : i32
      %dma_wait3A_26 = tpu.memref_slice %arg4[%arg0, %dma_wait3A] : memref<2x163840xf32, #tpu.memory_space<hbm>> -> memref<1x163840xf32, #tpu.memory_space<hbm>>
      %dma_wait3A_27 = tpu.memref_squeeze %dma_wait3A_26 : memref<1x163840xf32, #tpu.memory_space<hbm>> -> memref<163840xf32, #tpu.memory_space<hbm>>
      %dma_wait3A_28 = tpu.memref_slice %dma_wait3A_27[%mul3A_18] : memref<163840xf32, #tpu.memory_space<hbm>> -> memref<10240xf32, #tpu.memory_space<hbm>>
      %dma_wait3A_29 = arith.constant 0 : i32
      %dma_wait3A_30 = tpu.memref_slice %arg4[%arg0, %dma_wait3A_29] : memref<2x163840xf32, #tpu.memory_space<hbm>> -> memref<1x163840xf32, #tpu.memory_space<hbm>>
      %dma_wait3A_31 = tpu.memref_squeeze %dma_wait3A_30 : memref<1x163840xf32, #tpu.memory_space<hbm>> -> memref<163840xf32, #tpu.memory_space<hbm>>
      %dma_wait3A_32 = tpu.memref_slice %dma_wait3A_31[%mul3A_18] : memref<163840xf32, #tpu.memory_space<hbm>> -> memref<10240xf32, #tpu.memory_space<hbm>>
      tpu.wait_dma2 semaphore(%run_scoped3A : memref<!tpu.dma_semaphore, #tpu.memory_space<semaphore_mem>>) src(%arg7 : memref<10240xf32, #tpu.memory_space<vmem>>) dst(%dma_wait3A_32 : memref<10240xf32, #tpu.memory_space<hbm>>)
      tpu.yield
    }) : () -> ()
    return
  }
}

#map = affine_map<(d0, d1) -> (0, 0)>
#map1 = affine_map<(d0, d1) -> (0, 0, 0)>
module attributes {stable_mosaic.version = 14 : i64} {
  func.func @_gather_kernel(%arg0: i32, %arg1: i32, %arg2: memref<10000x128xf32, #tpu.memory_space<hbm>>, %arg3: memref<32x250x40xi32, #tpu.memory_space<hbm>>, %arg4: memref<32x250x40xi32, #tpu.memory_space<hbm>>, %arg5: memref<320000x64xf32, #tpu.memory_space<hbm>>, %arg6: memref<250x40xi32, #tpu.memory_space<vmem>>, %arg7: memref<250x40xi32, #tpu.memory_space<vmem>>, %arg8: memref<40x128xf32, #tpu.memory_space<vmem>>, %arg9: memref<40x128xf32, #tpu.memory_space<vmem>>, %arg10: memref<40x128xf32, #tpu.memory_space<vmem>>, %arg11: memref<40x128xf32, #tpu.memory_space<vmem>>, %arg12: memref<40x64xf32, #tpu.memory_space<vmem>>, %arg13: memref<40x64xf32, #tpu.memory_space<vmem>>, %arg14: memref<!tpu.dma_semaphore, #tpu.memory_space<semaphore_mem>>, %arg15: memref<!tpu.dma_semaphore, #tpu.memory_space<semaphore_mem>>, %arg16: memref<!tpu.dma_semaphore, #tpu.memory_space<semaphore_mem>>, %arg17: memref<!tpu.dma_semaphore, #tpu.memory_space<semaphore_mem>>, %arg18: memref<!tpu.dma_semaphore, #tpu.memory_space<semaphore_mem>>, %arg19: memref<!tpu.dma_semaphore, #tpu.memory_space<semaphore_mem>>) attributes {dimension_semantics = [#tpu.dimension_semantics<core_parallel>, #tpu.dimension_semantics<subcore_parallel>], iteration_bounds = array<i64: 2, 16>, scalar_prefetch = 0 : i64, scratch_operands = 14 : i64, tpu.core_type = #tpu.core_type<sc_vector_subcore>, window_params = [{transform_indices = #map}, {transform_indices = #map1}, {transform_indices = #map1}, {transform_indices = #map}]} {
    %mul3A = arith.constant 2 : i32
    %mul3A_0 = arith.muli %arg1, %mul3A : i32
    %add3A = arith.addi %mul3A_0, %arg0 : i32
    "tpu.region"() ({
      %run_scoped3A = tpu.sem_alloc : memref<!tpu.dma_semaphore, #tpu.memory_space<semaphore_mem>>
      %dma_start3A_44 = arith.constant 0 : i32
      %dma_start3A_45 = arith.constant 0 : i32
      %dma_start3A_46 = tpu.memref_slice %arg3[%add3A, %dma_start3A_44, %dma_start3A_45] : memref<32x250x40xi32, #tpu.memory_space<hbm>> -> memref<1x250x40xi32, #tpu.memory_space<hbm>>
      %dma_start3A_47 = tpu.memref_squeeze %dma_start3A_46 : memref<1x250x40xi32, #tpu.memory_space<hbm>> -> memref<250x40xi32, #tpu.memory_space<hbm>>
      %dma_start3A_48 = arith.constant 0 : i32
      %dma_start3A_49 = arith.constant 0 : i32
      %dma_start3A_50 = tpu.memref_slice %arg3[%add3A, %dma_start3A_48, %dma_start3A_49] : memref<32x250x40xi32, #tpu.memory_space<hbm>> -> memref<1x250x40xi32, #tpu.memory_space<hbm>>
      %dma_start3A_51 = tpu.memref_squeeze %dma_start3A_50 : memref<1x250x40xi32, #tpu.memory_space<hbm>> -> memref<250x40xi32, #tpu.memory_space<hbm>>
      tpu.enqueue_dma source(%dma_start3A_51 : memref<250x40xi32, #tpu.memory_space<hbm>>) target(%arg6 : memref<250x40xi32, #tpu.memory_space<vmem>>) target_semaphore(%run_scoped3A : memref<!tpu.dma_semaphore, #tpu.memory_space<semaphore_mem>>)
      %dma_wait3A_52 = arith.constant 0 : i32
      %dma_wait3A_53 = arith.constant 0 : i32
      %dma_wait3A_54 = tpu.memref_slice %arg3[%add3A, %dma_wait3A_52, %dma_wait3A_53] : memref<32x250x40xi32, #tpu.memory_space<hbm>> -> memref<1x250x40xi32, #tpu.memory_space<hbm>>
      %dma_wait3A_55 = tpu.memref_squeeze %dma_wait3A_54 : memref<1x250x40xi32, #tpu.memory_space<hbm>> -> memref<250x40xi32, #tpu.memory_space<hbm>>
      %dma_wait3A_56 = arith.constant 0 : i32
      %dma_wait3A_57 = arith.constant 0 : i32
      %dma_wait3A_58 = tpu.memref_slice %arg3[%add3A, %dma_wait3A_56, %dma_wait3A_57] : memref<32x250x40xi32, #tpu.memory_space<hbm>> -> memref<1x250x40xi32, #tpu.memory_space<hbm>>
      %dma_wait3A_59 = tpu.memref_squeeze %dma_wait3A_58 : memref<1x250x40xi32, #tpu.memory_space<hbm>> -> memref<250x40xi32, #tpu.memory_space<hbm>>
      tpu.wait_dma2 semaphore(%run_scoped3A : memref<!tpu.dma_semaphore, #tpu.memory_space<semaphore_mem>>) src(%dma_wait3A_59 : memref<250x40xi32, #tpu.memory_space<hbm>>) dst(%arg6 : memref<250x40xi32, #tpu.memory_space<vmem>>)
      tpu.yield
    }) : () -> ()
    "tpu.region"() ({
      %run_scoped3A = tpu.sem_alloc : memref<!tpu.dma_semaphore, #tpu.memory_space<semaphore_mem>>
      %dma_start3A_44 = arith.constant 0 : i32
      %dma_start3A_45 = arith.constant 0 : i32
      %dma_start3A_46 = tpu.memref_slice %arg4[%add3A, %dma_start3A_44, %dma_start3A_45] : memref<32x250x40xi32, #tpu.memory_space<hbm>> -> memref<1x250x40xi32, #tpu.memory_space<hbm>>
      %dma_start3A_47 = tpu.memref_squeeze %dma_start3A_46 : memref<1x250x40xi32, #tpu.memory_space<hbm>> -> memref<250x40xi32, #tpu.memory_space<hbm>>
      %dma_start3A_48 = arith.constant 0 : i32
      %dma_start3A_49 = arith.constant 0 : i32
      %dma_start3A_50 = tpu.memref_slice %arg4[%add3A, %dma_start3A_48, %dma_start3A_49] : memref<32x250x40xi32, #tpu.memory_space<hbm>> -> memref<1x250x40xi32, #tpu.memory_space<hbm>>
      %dma_start3A_51 = tpu.memref_squeeze %dma_start3A_50 : memref<1x250x40xi32, #tpu.memory_space<hbm>> -> memref<250x40xi32, #tpu.memory_space<hbm>>
      tpu.enqueue_dma source(%dma_start3A_51 : memref<250x40xi32, #tpu.memory_space<hbm>>) target(%arg7 : memref<250x40xi32, #tpu.memory_space<vmem>>) target_semaphore(%run_scoped3A : memref<!tpu.dma_semaphore, #tpu.memory_space<semaphore_mem>>)
      %dma_wait3A_52 = arith.constant 0 : i32
      %dma_wait3A_53 = arith.constant 0 : i32
      %dma_wait3A_54 = tpu.memref_slice %arg4[%add3A, %dma_wait3A_52, %dma_wait3A_53] : memref<32x250x40xi32, #tpu.memory_space<hbm>> -> memref<1x250x40xi32, #tpu.memory_space<hbm>>
      %dma_wait3A_55 = tpu.memref_squeeze %dma_wait3A_54 : memref<1x250x40xi32, #tpu.memory_space<hbm>> -> memref<250x40xi32, #tpu.memory_space<hbm>>
      %dma_wait3A_56 = arith.constant 0 : i32
      %dma_wait3A_57 = arith.constant 0 : i32
      %dma_wait3A_58 = tpu.memref_slice %arg4[%add3A, %dma_wait3A_56, %dma_wait3A_57] : memref<32x250x40xi32, #tpu.memory_space<hbm>> -> memref<1x250x40xi32, #tpu.memory_space<hbm>>
      %dma_wait3A_59 = tpu.memref_squeeze %dma_wait3A_58 : memref<1x250x40xi32, #tpu.memory_space<hbm>> -> memref<250x40xi32, #tpu.memory_space<hbm>>
      tpu.wait_dma2 semaphore(%run_scoped3A : memref<!tpu.dma_semaphore, #tpu.memory_space<semaphore_mem>>) src(%dma_wait3A_59 : memref<250x40xi32, #tpu.memory_space<hbm>>) dst(%arg7 : memref<250x40xi32, #tpu.memory_space<vmem>>)
      tpu.yield
    }) : () -> ()
    %dma_start3A = arith.constant 0 : i32
    %dma_start3A_1 = arith.constant 0 : i32
    %dma_start3A_2 = tpu.memref_slice %arg6[%dma_start3A, %dma_start3A_1] : memref<250x40xi32, #tpu.memory_space<vmem>> -> memref<1x40xi32, #tpu.memory_space<vmem>>
    %dma_start3A_3 = tpu.memref_squeeze %dma_start3A_2 : memref<1x40xi32, #tpu.memory_space<vmem>> -> memref<40xi32, #tpu.memory_space<vmem>>
    %dma_start3A_4 = arith.constant 0 : i32
    %dma_start3A_5 = arith.constant 0 : i32
    %dma_start3A_6 = tpu.memref_slice %arg2[%dma_start3A_4, %dma_start3A_5] : memref<10000x128xf32, #tpu.memory_space<hbm>> -> memref<10000x128xf32, #tpu.memory_space<hbm>>
    tpu.enqueue_indirect_dma source(%dma_start3A_6 : memref<10000x128xf32, #tpu.memory_space<hbm>>) target(%arg8 : memref<40x128xf32, #tpu.memory_space<vmem>>) offsets(%dma_start3A_3 : memref<40xi32, #tpu.memory_space<vmem>>) semaphore(%arg14 : memref<!tpu.dma_semaphore, #tpu.memory_space<semaphore_mem>>)
    %dma_start3A_7 = arith.constant 0 : i32
    %dma_start3A_8 = arith.constant 0 : i32
    %dma_start3A_9 = tpu.memref_slice %arg7[%dma_start3A_7, %dma_start3A_8] : memref<250x40xi32, #tpu.memory_space<vmem>> -> memref<1x40xi32, #tpu.memory_space<vmem>>
    %dma_start3A_10 = tpu.memref_squeeze %dma_start3A_9 : memref<1x40xi32, #tpu.memory_space<vmem>> -> memref<40xi32, #tpu.memory_space<vmem>>
    %dma_start3A_11 = arith.constant 0 : i32
    %dma_start3A_12 = arith.constant 0 : i32
    %dma_start3A_13 = tpu.memref_slice %arg2[%dma_start3A_11, %dma_start3A_12] : memref<10000x128xf32, #tpu.memory_space<hbm>> -> memref<10000x128xf32, #tpu.memory_space<hbm>>
    tpu.enqueue_indirect_dma source(%dma_start3A_13 : memref<10000x128xf32, #tpu.memory_space<hbm>>) target(%arg10 : memref<40x128xf32, #tpu.memory_space<vmem>>) offsets(%dma_start3A_10 : memref<40xi32, #tpu.memory_space<vmem>>) semaphore(%arg16 : memref<!tpu.dma_semaphore, #tpu.memory_space<semaphore_mem>>)
    %dma_start3A_14 = arith.constant 1 : i32
    %dma_start3A_15 = arith.constant 0 : i32
    %dma_start3A_16 = tpu.memref_slice %arg6[%dma_start3A_14, %dma_start3A_15] : memref<250x40xi32, #tpu.memory_space<vmem>> -> memref<1x40xi32, #tpu.memory_space<vmem>>
    %dma_start3A_17 = tpu.memref_squeeze %dma_start3A_16 : memref<1x40xi32, #tpu.memory_space<vmem>> -> memref<40xi32, #tpu.memory_space<vmem>>
    %dma_start3A_18 = arith.constant 0 : i32
    %dma_start3A_19 = arith.constant 0 : i32
    %dma_start3A_20 = tpu.memref_slice %arg2[%dma_start3A_18, %dma_start3A_19] : memref<10000x128xf32, #tpu.memory_space<hbm>> -> memref<10000x128xf32, #tpu.memory_space<hbm>>
    tpu.enqueue_indirect_dma source(%dma_start3A_20 : memref<10000x128xf32, #tpu.memory_space<hbm>>) target(%arg9 : memref<40x128xf32, #tpu.memory_space<vmem>>) offsets(%dma_start3A_17 : memref<40xi32, #tpu.memory_space<vmem>>) semaphore(%arg15 : memref<!tpu.dma_semaphore, #tpu.memory_space<semaphore_mem>>)
    %dma_start3A_21 = arith.constant 1 : i32
    %dma_start3A_22 = arith.constant 0 : i32
    %dma_start3A_23 = tpu.memref_slice %arg7[%dma_start3A_21, %dma_start3A_22] : memref<250x40xi32, #tpu.memory_space<vmem>> -> memref<1x40xi32, #tpu.memory_space<vmem>>
    %dma_start3A_24 = tpu.memref_squeeze %dma_start3A_23 : memref<1x40xi32, #tpu.memory_space<vmem>> -> memref<40xi32, #tpu.memory_space<vmem>>
    %dma_start3A_25 = arith.constant 0 : i32
    %dma_start3A_26 = arith.constant 0 : i32
    %dma_start3A_27 = tpu.memref_slice %arg2[%dma_start3A_25, %dma_start3A_26] : memref<10000x128xf32, #tpu.memory_space<hbm>> -> memref<10000x128xf32, #tpu.memory_space<hbm>>
    tpu.enqueue_indirect_dma source(%dma_start3A_27 : memref<10000x128xf32, #tpu.memory_space<hbm>>) target(%arg11 : memref<40x128xf32, #tpu.memory_space<vmem>>) offsets(%dma_start3A_24 : memref<40xi32, #tpu.memory_space<vmem>>) semaphore(%arg17 : memref<!tpu.dma_semaphore, #tpu.memory_space<semaphore_mem>>)
    %scan3A = arith.constant 0 : i32
    %scan3A_28 = arith.constant 0 : i32
    %scan3A_29 = arith.constant 125 : i32
    %scan3A_30 = arith.addi %scan3A_28, %scan3A_29 : i32
    %scan3A_31 = arith.constant 1 : i32
    scf.for %scan3A_44 = %scan3A_28 to %scan3A_30 step %scan3A_31  : i32 {
      %mul3A_45 = arith.constant 2 : i32
      %mul3A_46 = arith.muli %scan3A_44, %mul3A_45 : i32
      %add3A_47 = arith.constant 0 : i32
      %add3A_48 = arith.addi %mul3A_46, %add3A_47 : i32
      %dma_wait3A_49 = arith.constant 0 : i32
      %dma_wait3A_50 = arith.constant 0 : i32
      %dma_wait3A_51 = tpu.memref_slice %arg2[%dma_wait3A_49, %dma_wait3A_50] : memref<10000x128xf32, #tpu.memory_space<hbm>> -> memref<40x128xf32, #tpu.memory_space<hbm>>
      %dma_wait3A_52 = arith.constant 0 : i32
      %dma_wait3A_53 = arith.constant 0 : i32
      %dma_wait3A_54 = tpu.memref_slice %arg2[%dma_wait3A_52, %dma_wait3A_53] : memref<10000x128xf32, #tpu.memory_space<hbm>> -> memref<40x128xf32, #tpu.memory_space<hbm>>
      tpu.wait_dma2 semaphore(%arg14 : memref<!tpu.dma_semaphore, #tpu.memory_space<semaphore_mem>>) src(%dma_wait3A_54 : memref<40x128xf32, #tpu.memory_space<hbm>>) dst(%arg8 : memref<40x128xf32, #tpu.memory_space<vmem>>)
      %dma_wait3A_55 = arith.constant 0 : i32
      %dma_wait3A_56 = arith.constant 0 : i32
      %dma_wait3A_57 = tpu.memref_slice %arg2[%dma_wait3A_55, %dma_wait3A_56] : memref<10000x128xf32, #tpu.memory_space<hbm>> -> memref<40x128xf32, #tpu.memory_space<hbm>>
      %dma_wait3A_58 = arith.constant 0 : i32
      %dma_wait3A_59 = arith.constant 0 : i32
      %dma_wait3A_60 = tpu.memref_slice %arg2[%dma_wait3A_58, %dma_wait3A_59] : memref<10000x128xf32, #tpu.memory_space<hbm>> -> memref<40x128xf32, #tpu.memory_space<hbm>>
      tpu.wait_dma2 semaphore(%arg16 : memref<!tpu.dma_semaphore, #tpu.memory_space<semaphore_mem>>) src(%dma_wait3A_60 : memref<40x128xf32, #tpu.memory_space<hbm>>) dst(%arg10 : memref<40x128xf32, #tpu.memory_space<vmem>>)
      %gt3A = arith.constant 0 : i32
      %gt3A_61 = arith.cmpi sgt, %scan3A_44, %gt3A : i32
      %convert_element_type3A = arith.extui %gt3A_61 : i1 to i32
      %cond3A = arith.constant 0 : i32
      %cond3A_62 = arith.cmpi ne, %convert_element_type3A, %cond3A : i32
      scf.if %cond3A_62 {
        %dma_wait3A_123 = arith.constant 0 : i32
        %dma_wait3A_124 = arith.constant 0 : i32
        %dma_wait3A_125 = tpu.memref_slice %arg5[%dma_wait3A_123, %dma_wait3A_124] : memref<320000x64xf32, #tpu.memory_space<hbm>> -> memref<40x64xf32, #tpu.memory_space<hbm>>
        %dma_wait3A_126 = arith.constant 0 : i32
        %dma_wait3A_127 = arith.constant 0 : i32
        %dma_wait3A_128 = tpu.memref_slice %arg5[%dma_wait3A_126, %dma_wait3A_127] : memref<320000x64xf32, #tpu.memory_space<hbm>> -> memref<40x64xf32, #tpu.memory_space<hbm>>
        tpu.wait_dma2 semaphore(%arg18 : memref<!tpu.dma_semaphore, #tpu.memory_space<semaphore_mem>>) src(%dma_wait3A_128 : memref<40x64xf32, #tpu.memory_space<hbm>>) dst(%arg12 : memref<40x64xf32, #tpu.memory_space<vmem>>)
      } else {
      }
      %scan3A_63 = arith.constant 0 : i32
      %scan3A_64 = arith.constant 0 : i32
      %scan3A_65 = arith.constant 20 : i32
      %scan3A_66 = arith.addi %scan3A_64, %scan3A_65 : i32
      %scan3A_67 = arith.constant 1 : i32
      scf.for %scan3A_123 = %scan3A_64 to %scan3A_66 step %scan3A_67  : i32 {
        %mul3A_124 = arith.constant 2 : i32
        %mul3A_125 = arith.muli %mul3A_124, %scan3A_123 : i32
        %add3A_126 = arith.constant 0 : i32
        %add3A_127 = arith.addi %mul3A_125, %add3A_126 : i32
        %get3A = arith.index_cast %add3A_127 : i32 to index
        %get3A_128 = arith.constant 0 : index
        %get3A_129 = tpu.vector_load %arg8[%get3A, %get3A_128] {strides = array<i32>} : memref<40x128xf32, #tpu.memory_space<vmem>>, vector<1x16xf32>,
        %get3A_130 = vector.shape_cast %get3A_129 : vector<1x16xf32> to vector<16xf32>
        %mul3A_131 = arith.constant 2 : i32
        %mul3A_132 = arith.muli %mul3A_131, %scan3A_123 : i32
        %add3A_133 = arith.constant 0 : i32
        %add3A_134 = arith.addi %mul3A_132, %add3A_133 : i32
        %get3A_135 = arith.index_cast %add3A_134 : i32 to index
        %get3A_136 = arith.constant 64 : index
        %get3A_137 = tpu.vector_load %arg10[%get3A_135, %get3A_136] {strides = array<i32>} : memref<40x128xf32, #tpu.memory_space<vmem>>, vector<1x16xf32>,
        %get3A_138 = vector.shape_cast %get3A_137 : vector<1x16xf32> to vector<16xf32>
        %add3A_139 = arith.addf %get3A_130, %get3A_138 : vector<16xf32>
        %mul3A_140 = arith.constant 2 : i32
        %mul3A_141 = arith.muli %mul3A_140, %scan3A_123 : i32
        %add3A_142 = arith.constant 0 : i32
        %add3A_143 = arith.addi %mul3A_141, %add3A_142 : i32
        %swap3A = arith.index_cast %add3A_143 : i32 to index
        %swap3A_144 = arith.constant 0 : index
        %swap3A_145 = tpu.vector_load %arg12[%swap3A, %swap3A_144] {strides = array<i32>} : memref<40x64xf32, #tpu.memory_space<vmem>>, vector<1x16xf32>,
        %swap3A_146 = vector.shape_cast %swap3A_145 : vector<1x16xf32> to vector<16xf32>
        %swap3A_147 = vector.shape_cast %add3A_139 : vector<16xf32> to vector<1x16xf32>
        tpu.vector_store %arg12[%swap3A, %swap3A_144], %swap3A_147 {strides = array<i32>} : memref<40x64xf32, #tpu.memory_space<vmem>>, vector<1x16xf32>,
        %mul3A_148 = arith.constant 2 : i32
        %mul3A_149 = arith.muli %mul3A_148, %scan3A_123 : i32
        %add3A_150 = arith.constant 0 : i32
        %add3A_151 = arith.addi %mul3A_149, %add3A_150 : i32
        %get3A_152 = arith.index_cast %add3A_151 : i32 to index
        %get3A_153 = arith.constant 16 : index
        %get3A_154 = tpu.vector_load %arg8[%get3A_152, %get3A_153] {strides = array<i32>} : memref<40x128xf32, #tpu.memory_space<vmem>>, vector<1x16xf32>,
        %get3A_155 = vector.shape_cast %get3A_154 : vector<1x16xf32> to vector<16xf32>
        %mul3A_156 = arith.constant 2 : i32
        %mul3A_157 = arith.muli %mul3A_156, %scan3A_123 : i32
        %add3A_158 = arith.constant 0 : i32
        %add3A_159 = arith.addi %mul3A_157, %add3A_158 : i32
        %get3A_160 = arith.index_cast %add3A_159 : i32 to index
        %get3A_161 = arith.constant 80 : index
        %get3A_162 = tpu.vector_load %arg10[%get3A_160, %get3A_161] {strides = array<i32>} : memref<40x128xf32, #tpu.memory_space<vmem>>, vector<1x16xf32>,
        %get3A_163 = vector.shape_cast %get3A_162 : vector<1x16xf32> to vector<16xf32>
        %add3A_164 = arith.addf %get3A_155, %get3A_163 : vector<16xf32>
        %mul3A_165 = arith.constant 2 : i32
        %mul3A_166 = arith.muli %mul3A_165, %scan3A_123 : i32
        %add3A_167 = arith.constant 0 : i32
        %add3A_168 = arith.addi %mul3A_166, %add3A_167 : i32
        %swap3A_169 = arith.index_cast %add3A_168 : i32 to index
        %swap3A_170 = arith.constant 16 : index
        %swap3A_171 = tpu.vector_load %arg12[%swap3A_169, %swap3A_170] {strides = array<i32>} : memref<40x64xf32, #tpu.memory_space<vmem>>, vector<1x16xf32>,
        %swap3A_172 = vector.shape_cast %swap3A_171 : vector<1x16xf32> to vector<16xf32>
        %swap3A_173 = vector.shape_cast %add3A_164 : vector<16xf32> to vector<1x16xf32>
        tpu.vector_store %arg12[%swap3A_169, %swap3A_170], %swap3A_173 {strides = array<i32>} : memref<40x64xf32, #tpu.memory_space<vmem>>, vector<1x16xf32>,
        %mul3A_174 = arith.constant 2 : i32
        %mul3A_175 = arith.muli %mul3A_174, %scan3A_123 : i32
        %add3A_176 = arith.constant 0 : i32
        %add3A_177 = arith.addi %mul3A_175, %add3A_176 : i32
        %get3A_178 = arith.index_cast %add3A_177 : i32 to index
        %get3A_179 = arith.constant 32 : index
        %get3A_180 = tpu.vector_load %arg8[%get3A_178, %get3A_179] {strides = array<i32>} : memref<40x128xf32, #tpu.memory_space<vmem>>, vector<1x16xf32>,
        %get3A_181 = vector.shape_cast %get3A_180 : vector<1x16xf32> to vector<16xf32>
        %mul3A_182 = arith.constant 2 : i32
        %mul3A_183 = arith.muli %mul3A_182, %scan3A_123 : i32
        %add3A_184 = arith.constant 0 : i32
        %add3A_185 = arith.addi %mul3A_183, %add3A_184 : i32
        %get3A_186 = arith.index_cast %add3A_185 : i32 to index
        %get3A_187 = arith.constant 96 : index
        %get3A_188 = tpu.vector_load %arg10[%get3A_186, %get3A_187] {strides = array<i32>} : memref<40x128xf32, #tpu.memory_space<vmem>>, vector<1x16xf32>,
        %get3A_189 = vector.shape_cast %get3A_188 : vector<1x16xf32> to vector<16xf32>
        %add3A_190 = arith.addf %get3A_181, %get3A_189 : vector<16xf32>
        %mul3A_191 = arith.constant 2 : i32
        %mul3A_192 = arith.muli %mul3A_191, %scan3A_123 : i32
        %add3A_193 = arith.constant 0 : i32
        %add3A_194 = arith.addi %mul3A_192, %add3A_193 : i32
        %swap3A_195 = arith.index_cast %add3A_194 : i32 to index
        %swap3A_196 = arith.constant 32 : index
        %swap3A_197 = tpu.vector_load %arg12[%swap3A_195, %swap3A_196] {strides = array<i32>} : memref<40x64xf32, #tpu.memory_space<vmem>>, vector<1x16xf32>,
        %swap3A_198 = vector.shape_cast %swap3A_197 : vector<1x16xf32> to vector<16xf32>
        %swap3A_199 = vector.shape_cast %add3A_190 : vector<16xf32> to vector<1x16xf32>
        tpu.vector_store %arg12[%swap3A_195, %swap3A_196], %swap3A_199 {strides = array<i32>} : memref<40x64xf32, #tpu.memory_space<vmem>>, vector<1x16xf32>,
        %mul3A_200 = arith.constant 2 : i32
        %mul3A_201 = arith.muli %mul3A_200, %scan3A_123 : i32
        %add3A_202 = arith.constant 0 : i32
        %add3A_203 = arith.addi %mul3A_201, %add3A_202 : i32
        %get3A_204 = arith.index_cast %add3A_203 : i32 to index
        %get3A_205 = arith.constant 48 : index
        %get3A_206 = tpu.vector_load %arg8[%get3A_204, %get3A_205] {strides = array<i32>} : memref<40x128xf32, #tpu.memory_space<vmem>>, vector<1x16xf32>,
        %get3A_207 = vector.shape_cast %get3A_206 : vector<1x16xf32> to vector<16xf32>
        %mul3A_208 = arith.constant 2 : i32
        %mul3A_209 = arith.muli %mul3A_208, %scan3A_123 : i32
        %add3A_210 = arith.constant 0 : i32
        %add3A_211 = arith.addi %mul3A_209, %add3A_210 : i32
        %get3A_212 = arith.index_cast %add3A_211 : i32 to index
        %get3A_213 = arith.constant 112 : index
        %get3A_214 = tpu.vector_load %arg10[%get3A_212, %get3A_213] {strides = array<i32>} : memref<40x128xf32, #tpu.memory_space<vmem>>, vector<1x16xf32>,
        %get3A_215 = vector.shape_cast %get3A_214 : vector<1x16xf32> to vector<16xf32>
        %add3A_216 = arith.addf %get3A_207, %get3A_215 : vector<16xf32>
        %mul3A_217 = arith.constant 2 : i32
        %mul3A_218 = arith.muli %mul3A_217, %scan3A_123 : i32
        %add3A_219 = arith.constant 0 : i32
        %add3A_220 = arith.addi %mul3A_218, %add3A_219 : i32
        %swap3A_221 = arith.index_cast %add3A_220 : i32 to index
        %swap3A_222 = arith.constant 48 : index
        %swap3A_223 = tpu.vector_load %arg12[%swap3A_221, %swap3A_222] {strides = array<i32>} : memref<40x64xf32, #tpu.memory_space<vmem>>, vector<1x16xf32>,
        %swap3A_224 = vector.shape_cast %swap3A_223 : vector<1x16xf32> to vector<16xf32>
        %swap3A_225 = vector.shape_cast %add3A_216 : vector<16xf32> to vector<1x16xf32>
        tpu.vector_store %arg12[%swap3A_221, %swap3A_222], %swap3A_225 {strides = array<i32>} : memref<40x64xf32, #tpu.memory_space<vmem>>, vector<1x16xf32>,
        %mul3A_226 = arith.constant 2 : i32
        %mul3A_227 = arith.muli %mul3A_226, %scan3A_123 : i32
        %add3A_228 = arith.constant 1 : i32
        %add3A_229 = arith.addi %mul3A_227, %add3A_228 : i32
        %get3A_230 = arith.index_cast %add3A_229 : i32 to index
        %get3A_231 = arith.constant 0 : index
        %get3A_232 = tpu.vector_load %arg8[%get3A_230, %get3A_231] {strides = array<i32>} : memref<40x128xf32, #tpu.memory_space<vmem>>, vector<1x16xf32>,
        %get3A_233 = vector.shape_cast %get3A_232 : vector<1x16xf32> to vector<16xf32>
        %mul3A_234 = arith.constant 2 : i32
        %mul3A_235 = arith.muli %mul3A_234, %scan3A_123 : i32
        %add3A_236 = arith.constant 1 : i32
        %add3A_237 = arith.addi %mul3A_235, %add3A_236 : i32
        %get3A_238 = arith.index_cast %add3A_237 : i32 to index
        %get3A_239 = arith.constant 64 : index
        %get3A_240 = tpu.vector_load %arg10[%get3A_238, %get3A_239] {strides = array<i32>} : memref<40x128xf32, #tpu.memory_space<vmem>>, vector<1x16xf32>,
        %get3A_241 = vector.shape_cast %get3A_240 : vector<1x16xf32> to vector<16xf32>
        %add3A_242 = arith.addf %get3A_233, %get3A_241 : vector<16xf32>
        %mul3A_243 = arith.constant 2 : i32
        %mul3A_244 = arith.muli %mul3A_243, %scan3A_123 : i32
        %add3A_245 = arith.constant 1 : i32
        %add3A_246 = arith.addi %mul3A_244, %add3A_245 : i32
        %swap3A_247 = arith.index_cast %add3A_246 : i32 to index
        %swap3A_248 = arith.constant 0 : index
        %swap3A_249 = tpu.vector_load %arg12[%swap3A_247, %swap3A_248] {strides = array<i32>} : memref<40x64xf32, #tpu.memory_space<vmem>>, vector<1x16xf32>,
        %swap3A_250 = vector.shape_cast %swap3A_249 : vector<1x16xf32> to vector<16xf32>
        %swap3A_251 = vector.shape_cast %add3A_242 : vector<16xf32> to vector<1x16xf32>
        tpu.vector_store %arg12[%swap3A_247, %swap3A_248], %swap3A_251 {strides = array<i32>} : memref<40x64xf32, #tpu.memory_space<vmem>>, vector<1x16xf32>,
        %mul3A_252 = arith.constant 2 : i32
        %mul3A_253 = arith.muli %mul3A_252, %scan3A_123 : i32
        %add3A_254 = arith.constant 1 : i32
        %add3A_255 = arith.addi %mul3A_253, %add3A_254 : i32
        %get3A_256 = arith.index_cast %add3A_255 : i32 to index
        %get3A_257 = arith.constant 16 : index
        %get3A_258 = tpu.vector_load %arg8[%get3A_256, %get3A_257] {strides = array<i32>} : memref<40x128xf32, #tpu.memory_space<vmem>>, vector<1x16xf32>,
        %get3A_259 = vector.shape_cast %get3A_258 : vector<1x16xf32> to vector<16xf32>
        %mul3A_260 = arith.constant 2 : i32
        %mul3A_261 = arith.muli %mul3A_260, %scan3A_123 : i32
        %add3A_262 = arith.constant 1 : i32
        %add3A_263 = arith.addi %mul3A_261, %add3A_262 : i32
        %get3A_264 = arith.index_cast %add3A_263 : i32 to index
        %get3A_265 = arith.constant 80 : index
        %get3A_266 = tpu.vector_load %arg10[%get3A_264, %get3A_265] {strides = array<i32>} : memref<40x128xf32, #tpu.memory_space<vmem>>, vector<1x16xf32>,
        %get3A_267 = vector.shape_cast %get3A_266 : vector<1x16xf32> to vector<16xf32>
        %add3A_268 = arith.addf %get3A_259, %get3A_267 : vector<16xf32>
        %mul3A_269 = arith.constant 2 : i32
        %mul3A_270 = arith.muli %mul3A_269, %scan3A_123 : i32
        %add3A_271 = arith.constant 1 : i32
        %add3A_272 = arith.addi %mul3A_270, %add3A_271 : i32
        %swap3A_273 = arith.index_cast %add3A_272 : i32 to index
        %swap3A_274 = arith.constant 16 : index
        %swap3A_275 = tpu.vector_load %arg12[%swap3A_273, %swap3A_274] {strides = array<i32>} : memref<40x64xf32, #tpu.memory_space<vmem>>, vector<1x16xf32>,
        %swap3A_276 = vector.shape_cast %swap3A_275 : vector<1x16xf32> to vector<16xf32>
        %swap3A_277 = vector.shape_cast %add3A_268 : vector<16xf32> to vector<1x16xf32>
        tpu.vector_store %arg12[%swap3A_273, %swap3A_274], %swap3A_277 {strides = array<i32>} : memref<40x64xf32, #tpu.memory_space<vmem>>, vector<1x16xf32>,
        %mul3A_278 = arith.constant 2 : i32
        %mul3A_279 = arith.muli %mul3A_278, %scan3A_123 : i32
        %add3A_280 = arith.constant 1 : i32
        %add3A_281 = arith.addi %mul3A_279, %add3A_280 : i32
        %get3A_282 = arith.index_cast %add3A_281 : i32 to index
        %get3A_283 = arith.constant 32 : index
        %get3A_284 = tpu.vector_load %arg8[%get3A_282, %get3A_283] {strides = array<i32>} : memref<40x128xf32, #tpu.memory_space<vmem>>, vector<1x16xf32>,
        %get3A_285 = vector.shape_cast %get3A_284 : vector<1x16xf32> to vector<16xf32>
        %mul3A_286 = arith.constant 2 : i32
        %mul3A_287 = arith.muli %mul3A_286, %scan3A_123 : i32
        %add3A_288 = arith.constant 1 : i32
        %add3A_289 = arith.addi %mul3A_287, %add3A_288 : i32
        %get3A_290 = arith.index_cast %add3A_289 : i32 to index
        %get3A_291 = arith.constant 96 : index
        %get3A_292 = tpu.vector_load %arg10[%get3A_290, %get3A_291] {strides = array<i32>} : memref<40x128xf32, #tpu.memory_space<vmem>>, vector<1x16xf32>,
        %get3A_293 = vector.shape_cast %get3A_292 : vector<1x16xf32> to vector<16xf32>
        %add3A_294 = arith.addf %get3A_285, %get3A_293 : vector<16xf32>
        %mul3A_295 = arith.constant 2 : i32
        %mul3A_296 = arith.muli %mul3A_295, %scan3A_123 : i32
        %add3A_297 = arith.constant 1 : i32
        %add3A_298 = arith.addi %mul3A_296, %add3A_297 : i32
        %swap3A_299 = arith.index_cast %add3A_298 : i32 to index
        %swap3A_300 = arith.constant 32 : index
        %swap3A_301 = tpu.vector_load %arg12[%swap3A_299, %swap3A_300] {strides = array<i32>} : memref<40x64xf32, #tpu.memory_space<vmem>>, vector<1x16xf32>,
        %swap3A_302 = vector.shape_cast %swap3A_301 : vector<1x16xf32> to vector<16xf32>
        %swap3A_303 = vector.shape_cast %add3A_294 : vector<16xf32> to vector<1x16xf32>
        tpu.vector_store %arg12[%swap3A_299, %swap3A_300], %swap3A_303 {strides = array<i32>} : memref<40x64xf32, #tpu.memory_space<vmem>>, vector<1x16xf32>,
        %mul3A_304 = arith.constant 2 : i32
        %mul3A_305 = arith.muli %mul3A_304, %scan3A_123 : i32
        %add3A_306 = arith.constant 1 : i32
        %add3A_307 = arith.addi %mul3A_305, %add3A_306 : i32
        %get3A_308 = arith.index_cast %add3A_307 : i32 to index
        %get3A_309 = arith.constant 48 : index
        %get3A_310 = tpu.vector_load %arg8[%get3A_308, %get3A_309] {strides = array<i32>} : memref<40x128xf32, #tpu.memory_space<vmem>>, vector<1x16xf32>,
        %get3A_311 = vector.shape_cast %get3A_310 : vector<1x16xf32> to vector<16xf32>
        %mul3A_312 = arith.constant 2 : i32
        %mul3A_313 = arith.muli %mul3A_312, %scan3A_123 : i32
        %add3A_314 = arith.constant 1 : i32
        %add3A_315 = arith.addi %mul3A_313, %add3A_314 : i32
        %get3A_316 = arith.index_cast %add3A_315 : i32 to index
        %get3A_317 = arith.constant 112 : index
        %get3A_318 = tpu.vector_load %arg10[%get3A_316, %get3A_317] {strides = array<i32>} : memref<40x128xf32, #tpu.memory_space<vmem>>, vector<1x16xf32>,
        %get3A_319 = vector.shape_cast %get3A_318 : vector<1x16xf32> to vector<16xf32>
        %add3A_320 = arith.addf %get3A_311, %get3A_319 : vector<16xf32>
        %mul3A_321 = arith.constant 2 : i32
        %mul3A_322 = arith.muli %mul3A_321, %scan3A_123 : i32
        %add3A_323 = arith.constant 1 : i32
        %add3A_324 = arith.addi %mul3A_322, %add3A_323 : i32
        %swap3A_325 = arith.index_cast %add3A_324 : i32 to index
        %swap3A_326 = arith.constant 48 : index
        %swap3A_327 = tpu.vector_load %arg12[%swap3A_325, %swap3A_326] {strides = array<i32>} : memref<40x64xf32, #tpu.memory_space<vmem>>, vector<1x16xf32>,
        %swap3A_328 = vector.shape_cast %swap3A_327 : vector<1x16xf32> to vector<16xf32>
        %swap3A_329 = vector.shape_cast %add3A_320 : vector<16xf32> to vector<1x16xf32>
        tpu.vector_store %arg12[%swap3A_325, %swap3A_326], %swap3A_329 {strides = array<i32>} : memref<40x64xf32, #tpu.memory_space<vmem>>, vector<1x16xf32>,
      }
      %scan3A_68 = arith.constant 20 : i32
      %mul3A_69 = arith.constant 10000 : i32
      %mul3A_70 = arith.muli %add3A, %mul3A_69 : i32
      %mul3A_71 = arith.constant 40 : i32
      %mul3A_72 = arith.muli %add3A_48, %mul3A_71 : i32
      %add3A_73 = arith.addi %mul3A_70, %mul3A_72 : i32
      %dma_start3A_74 = arith.constant 0 : i32
      %dma_start3A_75 = tpu.memref_slice %arg5[%add3A_73, %dma_start3A_74] : memref<320000x64xf32, #tpu.memory_space<hbm>> -> memref<40x64xf32, #tpu.memory_space<hbm>>
      %dma_start3A_76 = arith.constant 0 : i32
      %dma_start3A_77 = tpu.memref_slice %arg5[%add3A_73, %dma_start3A_76] : memref<320000x64xf32, #tpu.memory_space<hbm>> -> memref<40x64xf32, #tpu.memory_space<hbm>>
      tpu.enqueue_dma source(%arg12 : memref<40x64xf32, #tpu.memory_space<vmem>>) target(%dma_start3A_77 : memref<40x64xf32, #tpu.memory_space<hbm>>) target_semaphore(%arg18 : memref<!tpu.dma_semaphore, #tpu.memory_space<semaphore_mem>>)
      %lt3A = arith.constant 124 : i32
      %lt3A_78 = arith.cmpi slt, %scan3A_44, %lt3A : i32
      %convert_element_type3A_79 = arith.extui %lt3A_78 : i1 to i32
      %cond3A_80 = arith.constant 0 : i32
      %cond3A_81 = arith.cmpi ne, %convert_element_type3A_79, %cond3A_80 : i32
      scf.if %cond3A_81 {
        %add3A_123 = arith.constant 2 : i32
        %add3A_124 = arith.addi %add3A_48, %add3A_123 : i32
        %dma_start3A_125 = arith.constant 0 : i32
        %dma_start3A_126 = tpu.memref_slice %arg6[%add3A_124, %dma_start3A_125] : memref<250x40xi32, #tpu.memory_space<vmem>> -> memref<1x40xi32, #tpu.memory_space<vmem>>
        %dma_start3A_127 = tpu.memref_squeeze %dma_start3A_126 : memref<1x40xi32, #tpu.memory_space<vmem>> -> memref<40xi32, #tpu.memory_space<vmem>>
        %dma_start3A_128 = arith.constant 0 : i32
        %dma_start3A_129 = arith.constant 0 : i32
        %dma_start3A_130 = tpu.memref_slice %arg2[%dma_start3A_128, %dma_start3A_129] : memref<10000x128xf32, #tpu.memory_space<hbm>> -> memref<10000x128xf32, #tpu.memory_space<hbm>>
        tpu.enqueue_indirect_dma source(%dma_start3A_130 : memref<10000x128xf32, #tpu.memory_space<hbm>>) target(%arg8 : memref<40x128xf32, #tpu.memory_space<vmem>>) offsets(%dma_start3A_127 : memref<40xi32, #tpu.memory_space<vmem>>) semaphore(%arg14 : memref<!tpu.dma_semaphore, #tpu.memory_space<semaphore_mem>>)
        %dma_start3A_131 = arith.constant 0 : i32
        %dma_start3A_132 = tpu.memref_slice %arg7[%add3A_124, %dma_start3A_131] : memref<250x40xi32, #tpu.memory_space<vmem>> -> memref<1x40xi32, #tpu.memory_space<vmem>>
        %dma_start3A_133 = tpu.memref_squeeze %dma_start3A_132 : memref<1x40xi32, #tpu.memory_space<vmem>> -> memref<40xi32, #tpu.memory_space<vmem>>
        %dma_start3A_134 = arith.constant 0 : i32
        %dma_start3A_135 = arith.constant 0 : i32
        %dma_start3A_136 = tpu.memref_slice %arg2[%dma_start3A_134, %dma_start3A_135] : memref<10000x128xf32, #tpu.memory_space<hbm>> -> memref<10000x128xf32, #tpu.memory_space<hbm>>
        tpu.enqueue_indirect_dma source(%dma_start3A_136 : memref<10000x128xf32, #tpu.memory_space<hbm>>) target(%arg10 : memref<40x128xf32, #tpu.memory_space<vmem>>) offsets(%dma_start3A_133 : memref<40xi32, #tpu.memory_space<vmem>>) semaphore(%arg16 : memref<!tpu.dma_semaphore, #tpu.memory_space<semaphore_mem>>)
      } else {
      }
      %mul3A_82 = arith.constant 2 : i32
      %mul3A_83 = arith.muli %scan3A_44, %mul3A_82 : i32
      %add3A_84 = arith.constant 1 : i32
      %add3A_85 = arith.addi %mul3A_83, %add3A_84 : i32
      %dma_wait3A_86 = arith.constant 0 : i32
      %dma_wait3A_87 = arith.constant 0 : i32
      %dma_wait3A_88 = tpu.memref_slice %arg2[%dma_wait3A_86, %dma_wait3A_87] : memref<10000x128xf32, #tpu.memory_space<hbm>> -> memref<40x128xf32, #tpu.memory_space<hbm>>
      %dma_wait3A_89 = arith.constant 0 : i32
      %dma_wait3A_90 = arith.constant 0 : i32
      %dma_wait3A_91 = tpu.memref_slice %arg2[%dma_wait3A_89, %dma_wait3A_90] : memref<10000x128xf32, #tpu.memory_space<hbm>> -> memref<40x128xf32, #tpu.memory_space<hbm>>
      tpu.wait_dma2 semaphore(%arg15 : memref<!tpu.dma_semaphore, #tpu.memory_space<semaphore_mem>>) src(%dma_wait3A_91 : memref<40x128xf32, #tpu.memory_space<hbm>>) dst(%arg9 : memref<40x128xf32, #tpu.memory_space<vmem>>)
      %dma_wait3A_92 = arith.constant 0 : i32
      %dma_wait3A_93 = arith.constant 0 : i32
      %dma_wait3A_94 = tpu.memref_slice %arg2[%dma_wait3A_92, %dma_wait3A_93] : memref<10000x128xf32, #tpu.memory_space<hbm>> -> memref<40x128xf32, #tpu.memory_space<hbm>>
      %dma_wait3A_95 = arith.constant 0 : i32
      %dma_wait3A_96 = arith.constant 0 : i32
      %dma_wait3A_97 = tpu.memref_slice %arg2[%dma_wait3A_95, %dma_wait3A_96] : memref<10000x128xf32, #tpu.memory_space<hbm>> -> memref<40x128xf32, #tpu.memory_space<hbm>>
      tpu.wait_dma2 semaphore(%arg17 : memref<!tpu.dma_semaphore, #tpu.memory_space<semaphore_mem>>) src(%dma_wait3A_97 : memref<40x128xf32, #tpu.memory_space<hbm>>) dst(%arg11 : memref<40x128xf32, #tpu.memory_space<vmem>>)
      %gt3A_98 = arith.constant 0 : i32
      %gt3A_99 = arith.cmpi sgt, %scan3A_44, %gt3A_98 : i32
      %convert_element_type3A_100 = arith.extui %gt3A_99 : i1 to i32
      %cond3A_101 = arith.constant 0 : i32
      %cond3A_102 = arith.cmpi ne, %convert_element_type3A_100, %cond3A_101 : i32
      scf.if %cond3A_102 {
        %dma_wait3A_123 = arith.constant 0 : i32
        %dma_wait3A_124 = arith.constant 0 : i32
        %dma_wait3A_125 = tpu.memref_slice %arg5[%dma_wait3A_123, %dma_wait3A_124] : memref<320000x64xf32, #tpu.memory_space<hbm>> -> memref<40x64xf32, #tpu.memory_space<hbm>>
        %dma_wait3A_126 = arith.constant 0 : i32
        %dma_wait3A_127 = arith.constant 0 : i32
        %dma_wait3A_128 = tpu.memref_slice %arg5[%dma_wait3A_126, %dma_wait3A_127] : memref<320000x64xf32, #tpu.memory_space<hbm>> -> memref<40x64xf32, #tpu.memory_space<hbm>>
        tpu.wait_dma2 semaphore(%arg19 : memref<!tpu.dma_semaphore, #tpu.memory_space<semaphore_mem>>) src(%dma_wait3A_128 : memref<40x64xf32, #tpu.memory_space<hbm>>) dst(%arg13 : memref<40x64xf32, #tpu.memory_space<vmem>>)
      } else {
      }
      %scan3A_103 = arith.constant 0 : i32
      %scan3A_104 = arith.constant 0 : i32
      %scan3A_105 = arith.constant 20 : i32
      %scan3A_106 = arith.addi %scan3A_104, %scan3A_105 : i32
      %scan3A_107 = arith.constant 1 : i32
      scf.for %scan3A_123 = %scan3A_104 to %scan3A_106 step %scan3A_107  : i32 {
        %mul3A_124 = arith.constant 2 : i32
        %mul3A_125 = arith.muli %mul3A_124, %scan3A_123 : i32
        %add3A_126 = arith.constant 0 : i32
        %add3A_127 = arith.addi %mul3A_125, %add3A_126 : i32
        %get3A = arith.index_cast %add3A_127 : i32 to index
        %get3A_128 = arith.constant 0 : index
        %get3A_129 = tpu.vector_load %arg9[%get3A, %get3A_128] {strides = array<i32>} : memref<40x128xf32, #tpu.memory_space<vmem>>, vector<1x16xf32>,
        %get3A_130 = vector.shape_cast %get3A_129 : vector<1x16xf32> to vector<16xf32>
        %mul3A_131 = arith.constant 2 : i32
        %mul3A_132 = arith.muli %mul3A_131, %scan3A_123 : i32
        %add3A_133 = arith.constant 0 : i32
        %add3A_134 = arith.addi %mul3A_132, %add3A_133 : i32
        %get3A_135 = arith.index_cast %add3A_134 : i32 to index
        %get3A_136 = arith.constant 64 : index
        %get3A_137 = tpu.vector_load %arg11[%get3A_135, %get3A_136] {strides = array<i32>} : memref<40x128xf32, #tpu.memory_space<vmem>>, vector<1x16xf32>,
        %get3A_138 = vector.shape_cast %get3A_137 : vector<1x16xf32> to vector<16xf32>
        %add3A_139 = arith.addf %get3A_130, %get3A_138 : vector<16xf32>
        %mul3A_140 = arith.constant 2 : i32
        %mul3A_141 = arith.muli %mul3A_140, %scan3A_123 : i32
        %add3A_142 = arith.constant 0 : i32
        %add3A_143 = arith.addi %mul3A_141, %add3A_142 : i32
        %swap3A = arith.index_cast %add3A_143 : i32 to index
        %swap3A_144 = arith.constant 0 : index
        %swap3A_145 = tpu.vector_load %arg13[%swap3A, %swap3A_144] {strides = array<i32>} : memref<40x64xf32, #tpu.memory_space<vmem>>, vector<1x16xf32>,
        %swap3A_146 = vector.shape_cast %swap3A_145 : vector<1x16xf32> to vector<16xf32>
        %swap3A_147 = vector.shape_cast %add3A_139 : vector<16xf32> to vector<1x16xf32>
        tpu.vector_store %arg13[%swap3A, %swap3A_144], %swap3A_147 {strides = array<i32>} : memref<40x64xf32, #tpu.memory_space<vmem>>, vector<1x16xf32>,
        %mul3A_148 = arith.constant 2 : i32
        %mul3A_149 = arith.muli %mul3A_148, %scan3A_123 : i32
        %add3A_150 = arith.constant 0 : i32
        %add3A_151 = arith.addi %mul3A_149, %add3A_150 : i32
        %get3A_152 = arith.index_cast %add3A_151 : i32 to index
        %get3A_153 = arith.constant 16 : index
        %get3A_154 = tpu.vector_load %arg9[%get3A_152, %get3A_153] {strides = array<i32>} : memref<40x128xf32, #tpu.memory_space<vmem>>, vector<1x16xf32>,
        %get3A_155 = vector.shape_cast %get3A_154 : vector<1x16xf32> to vector<16xf32>
        %mul3A_156 = arith.constant 2 : i32
        %mul3A_157 = arith.muli %mul3A_156, %scan3A_123 : i32
        %add3A_158 = arith.constant 0 : i32
        %add3A_159 = arith.addi %mul3A_157, %add3A_158 : i32
        %get3A_160 = arith.index_cast %add3A_159 : i32 to index
        %get3A_161 = arith.constant 80 : index
        %get3A_162 = tpu.vector_load %arg11[%get3A_160, %get3A_161] {strides = array<i32>} : memref<40x128xf32, #tpu.memory_space<vmem>>, vector<1x16xf32>,
        %get3A_163 = vector.shape_cast %get3A_162 : vector<1x16xf32> to vector<16xf32>
        %add3A_164 = arith.addf %get3A_155, %get3A_163 : vector<16xf32>
        %mul3A_165 = arith.constant 2 : i32
        %mul3A_166 = arith.muli %mul3A_165, %scan3A_123 : i32
        %add3A_167 = arith.constant 0 : i32
        %add3A_168 = arith.addi %mul3A_166, %add3A_167 : i32
        %swap3A_169 = arith.index_cast %add3A_168 : i32 to index
        %swap3A_170 = arith.constant 16 : index
        %swap3A_171 = tpu.vector_load %arg13[%swap3A_169, %swap3A_170] {strides = array<i32>} : memref<40x64xf32, #tpu.memory_space<vmem>>, vector<1x16xf32>,
        %swap3A_172 = vector.shape_cast %swap3A_171 : vector<1x16xf32> to vector<16xf32>
        %swap3A_173 = vector.shape_cast %add3A_164 : vector<16xf32> to vector<1x16xf32>
        tpu.vector_store %arg13[%swap3A_169, %swap3A_170], %swap3A_173 {strides = array<i32>} : memref<40x64xf32, #tpu.memory_space<vmem>>, vector<1x16xf32>,
        %mul3A_174 = arith.constant 2 : i32
        %mul3A_175 = arith.muli %mul3A_174, %scan3A_123 : i32
        %add3A_176 = arith.constant 0 : i32
        %add3A_177 = arith.addi %mul3A_175, %add3A_176 : i32
        %get3A_178 = arith.index_cast %add3A_177 : i32 to index
        %get3A_179 = arith.constant 32 : index
        %get3A_180 = tpu.vector_load %arg9[%get3A_178, %get3A_179] {strides = array<i32>} : memref<40x128xf32, #tpu.memory_space<vmem>>, vector<1x16xf32>,
        %get3A_181 = vector.shape_cast %get3A_180 : vector<1x16xf32> to vector<16xf32>
        %mul3A_182 = arith.constant 2 : i32
        %mul3A_183 = arith.muli %mul3A_182, %scan3A_123 : i32
        %add3A_184 = arith.constant 0 : i32
        %add3A_185 = arith.addi %mul3A_183, %add3A_184 : i32
        %get3A_186 = arith.index_cast %add3A_185 : i32 to index
        %get3A_187 = arith.constant 96 : index
        %get3A_188 = tpu.vector_load %arg11[%get3A_186, %get3A_187] {strides = array<i32>} : memref<40x128xf32, #tpu.memory_space<vmem>>, vector<1x16xf32>,
        %get3A_189 = vector.shape_cast %get3A_188 : vector<1x16xf32> to vector<16xf32>
        %add3A_190 = arith.addf %get3A_181, %get3A_189 : vector<16xf32>
        %mul3A_191 = arith.constant 2 : i32
        %mul3A_192 = arith.muli %mul3A_191, %scan3A_123 : i32
        %add3A_193 = arith.constant 0 : i32
        %add3A_194 = arith.addi %mul3A_192, %add3A_193 : i32
        %swap3A_195 = arith.index_cast %add3A_194 : i32 to index
        %swap3A_196 = arith.constant 32 : index
        %swap3A_197 = tpu.vector_load %arg13[%swap3A_195, %swap3A_196] {strides = array<i32>} : memref<40x64xf32, #tpu.memory_space<vmem>>, vector<1x16xf32>,
        %swap3A_198 = vector.shape_cast %swap3A_197 : vector<1x16xf32> to vector<16xf32>
        %swap3A_199 = vector.shape_cast %add3A_190 : vector<16xf32> to vector<1x16xf32>
        tpu.vector_store %arg13[%swap3A_195, %swap3A_196], %swap3A_199 {strides = array<i32>} : memref<40x64xf32, #tpu.memory_space<vmem>>, vector<1x16xf32>,
        %mul3A_200 = arith.constant 2 : i32
        %mul3A_201 = arith.muli %mul3A_200, %scan3A_123 : i32
        %add3A_202 = arith.constant 0 : i32
        %add3A_203 = arith.addi %mul3A_201, %add3A_202 : i32
        %get3A_204 = arith.index_cast %add3A_203 : i32 to index
        %get3A_205 = arith.constant 48 : index
        %get3A_206 = tpu.vector_load %arg9[%get3A_204, %get3A_205] {strides = array<i32>} : memref<40x128xf32, #tpu.memory_space<vmem>>, vector<1x16xf32>,
        %get3A_207 = vector.shape_cast %get3A_206 : vector<1x16xf32> to vector<16xf32>
        %mul3A_208 = arith.constant 2 : i32
        %mul3A_209 = arith.muli %mul3A_208, %scan3A_123 : i32
        %add3A_210 = arith.constant 0 : i32
        %add3A_211 = arith.addi %mul3A_209, %add3A_210 : i32
        %get3A_212 = arith.index_cast %add3A_211 : i32 to index
        %get3A_213 = arith.constant 112 : index
        %get3A_214 = tpu.vector_load %arg11[%get3A_212, %get3A_213] {strides = array<i32>} : memref<40x128xf32, #tpu.memory_space<vmem>>, vector<1x16xf32>,
        %get3A_215 = vector.shape_cast %get3A_214 : vector<1x16xf32> to vector<16xf32>
        %add3A_216 = arith.addf %get3A_207, %get3A_215 : vector<16xf32>
        %mul3A_217 = arith.constant 2 : i32
        %mul3A_218 = arith.muli %mul3A_217, %scan3A_123 : i32
        %add3A_219 = arith.constant 0 : i32
        %add3A_220 = arith.addi %mul3A_218, %add3A_219 : i32
        %swap3A_221 = arith.index_cast %add3A_220 : i32 to index
        %swap3A_222 = arith.constant 48 : index
        %swap3A_223 = tpu.vector_load %arg13[%swap3A_221, %swap3A_222] {strides = array<i32>} : memref<40x64xf32, #tpu.memory_space<vmem>>, vector<1x16xf32>,
        %swap3A_224 = vector.shape_cast %swap3A_223 : vector<1x16xf32> to vector<16xf32>
        %swap3A_225 = vector.shape_cast %add3A_216 : vector<16xf32> to vector<1x16xf32>
        tpu.vector_store %arg13[%swap3A_221, %swap3A_222], %swap3A_225 {strides = array<i32>} : memref<40x64xf32, #tpu.memory_space<vmem>>, vector<1x16xf32>,
        %mul3A_226 = arith.constant 2 : i32
        %mul3A_227 = arith.muli %mul3A_226, %scan3A_123 : i32
        %add3A_228 = arith.constant 1 : i32
        %add3A_229 = arith.addi %mul3A_227, %add3A_228 : i32
        %get3A_230 = arith.index_cast %add3A_229 : i32 to index
        %get3A_231 = arith.constant 0 : index
        %get3A_232 = tpu.vector_load %arg9[%get3A_230, %get3A_231] {strides = array<i32>} : memref<40x128xf32, #tpu.memory_space<vmem>>, vector<1x16xf32>,
        %get3A_233 = vector.shape_cast %get3A_232 : vector<1x16xf32> to vector<16xf32>
        %mul3A_234 = arith.constant 2 : i32
        %mul3A_235 = arith.muli %mul3A_234, %scan3A_123 : i32
        %add3A_236 = arith.constant 1 : i32
        %add3A_237 = arith.addi %mul3A_235, %add3A_236 : i32
        %get3A_238 = arith.index_cast %add3A_237 : i32 to index
        %get3A_239 = arith.constant 64 : index
        %get3A_240 = tpu.vector_load %arg11[%get3A_238, %get3A_239] {strides = array<i32>} : memref<40x128xf32, #tpu.memory_space<vmem>>, vector<1x16xf32>,
        %get3A_241 = vector.shape_cast %get3A_240 : vector<1x16xf32> to vector<16xf32>
        %add3A_242 = arith.addf %get3A_233, %get3A_241 : vector<16xf32>
        %mul3A_243 = arith.constant 2 : i32
        %mul3A_244 = arith.muli %mul3A_243, %scan3A_123 : i32
        %add3A_245 = arith.constant 1 : i32
        %add3A_246 = arith.addi %mul3A_244, %add3A_245 : i32
        %swap3A_247 = arith.index_cast %add3A_246 : i32 to index
        %swap3A_248 = arith.constant 0 : index
        %swap3A_249 = tpu.vector_load %arg13[%swap3A_247, %swap3A_248] {strides = array<i32>} : memref<40x64xf32, #tpu.memory_space<vmem>>, vector<1x16xf32>,
        %swap3A_250 = vector.shape_cast %swap3A_249 : vector<1x16xf32> to vector<16xf32>
        %swap3A_251 = vector.shape_cast %add3A_242 : vector<16xf32> to vector<1x16xf32>
        tpu.vector_store %arg13[%swap3A_247, %swap3A_248], %swap3A_251 {strides = array<i32>} : memref<40x64xf32, #tpu.memory_space<vmem>>, vector<1x16xf32>,
        %mul3A_252 = arith.constant 2 : i32
        %mul3A_253 = arith.muli %mul3A_252, %scan3A_123 : i32
        %add3A_254 = arith.constant 1 : i32
        %add3A_255 = arith.addi %mul3A_253, %add3A_254 : i32
        %get3A_256 = arith.index_cast %add3A_255 : i32 to index
        %get3A_257 = arith.constant 16 : index
        %get3A_258 = tpu.vector_load %arg9[%get3A_256, %get3A_257] {strides = array<i32>} : memref<40x128xf32, #tpu.memory_space<vmem>>, vector<1x16xf32>,
        %get3A_259 = vector.shape_cast %get3A_258 : vector<1x16xf32> to vector<16xf32>
        %mul3A_260 = arith.constant 2 : i32
        %mul3A_261 = arith.muli %mul3A_260, %scan3A_123 : i32
        %add3A_262 = arith.constant 1 : i32
        %add3A_263 = arith.addi %mul3A_261, %add3A_262 : i32
        %get3A_264 = arith.index_cast %add3A_263 : i32 to index
        %get3A_265 = arith.constant 80 : index
        %get3A_266 = tpu.vector_load %arg11[%get3A_264, %get3A_265] {strides = array<i32>} : memref<40x128xf32, #tpu.memory_space<vmem>>, vector<1x16xf32>,
        %get3A_267 = vector.shape_cast %get3A_266 : vector<1x16xf32> to vector<16xf32>
        %add3A_268 = arith.addf %get3A_259, %get3A_267 : vector<16xf32>
        %mul3A_269 = arith.constant 2 : i32
        %mul3A_270 = arith.muli %mul3A_269, %scan3A_123 : i32
        %add3A_271 = arith.constant 1 : i32
        %add3A_272 = arith.addi %mul3A_270, %add3A_271 : i32
        %swap3A_273 = arith.index_cast %add3A_272 : i32 to index
        %swap3A_274 = arith.constant 16 : index
        %swap3A_275 = tpu.vector_load %arg13[%swap3A_273, %swap3A_274] {strides = array<i32>} : memref<40x64xf32, #tpu.memory_space<vmem>>, vector<1x16xf32>,
        %swap3A_276 = vector.shape_cast %swap3A_275 : vector<1x16xf32> to vector<16xf32>
        %swap3A_277 = vector.shape_cast %add3A_268 : vector<16xf32> to vector<1x16xf32>
        tpu.vector_store %arg13[%swap3A_273, %swap3A_274], %swap3A_277 {strides = array<i32>} : memref<40x64xf32, #tpu.memory_space<vmem>>, vector<1x16xf32>,
        %mul3A_278 = arith.constant 2 : i32
        %mul3A_279 = arith.muli %mul3A_278, %scan3A_123 : i32
        %add3A_280 = arith.constant 1 : i32
        %add3A_281 = arith.addi %mul3A_279, %add3A_280 : i32
        %get3A_282 = arith.index_cast %add3A_281 : i32 to index
        %get3A_283 = arith.constant 32 : index
        %get3A_284 = tpu.vector_load %arg9[%get3A_282, %get3A_283] {strides = array<i32>} : memref<40x128xf32, #tpu.memory_space<vmem>>, vector<1x16xf32>,
        %get3A_285 = vector.shape_cast %get3A_284 : vector<1x16xf32> to vector<16xf32>
        %mul3A_286 = arith.constant 2 : i32
        %mul3A_287 = arith.muli %mul3A_286, %scan3A_123 : i32
        %add3A_288 = arith.constant 1 : i32
        %add3A_289 = arith.addi %mul3A_287, %add3A_288 : i32
        %get3A_290 = arith.index_cast %add3A_289 : i32 to index
        %get3A_291 = arith.constant 96 : index
        %get3A_292 = tpu.vector_load %arg11[%get3A_290, %get3A_291] {strides = array<i32>} : memref<40x128xf32, #tpu.memory_space<vmem>>, vector<1x16xf32>,
        %get3A_293 = vector.shape_cast %get3A_292 : vector<1x16xf32> to vector<16xf32>
        %add3A_294 = arith.addf %get3A_285, %get3A_293 : vector<16xf32>
        %mul3A_295 = arith.constant 2 : i32
        %mul3A_296 = arith.muli %mul3A_295, %scan3A_123 : i32
        %add3A_297 = arith.constant 1 : i32
        %add3A_298 = arith.addi %mul3A_296, %add3A_297 : i32
        %swap3A_299 = arith.index_cast %add3A_298 : i32 to index
        %swap3A_300 = arith.constant 32 : index
        %swap3A_301 = tpu.vector_load %arg13[%swap3A_299, %swap3A_300] {strides = array<i32>} : memref<40x64xf32, #tpu.memory_space<vmem>>, vector<1x16xf32>,
        %swap3A_302 = vector.shape_cast %swap3A_301 : vector<1x16xf32> to vector<16xf32>
        %swap3A_303 = vector.shape_cast %add3A_294 : vector<16xf32> to vector<1x16xf32>
        tpu.vector_store %arg13[%swap3A_299, %swap3A_300], %swap3A_303 {strides = array<i32>} : memref<40x64xf32, #tpu.memory_space<vmem>>, vector<1x16xf32>,
        %mul3A_304 = arith.constant 2 : i32
        %mul3A_305 = arith.muli %mul3A_304, %scan3A_123 : i32
        %add3A_306 = arith.constant 1 : i32
        %add3A_307 = arith.addi %mul3A_305, %add3A_306 : i32
        %get3A_308 = arith.index_cast %add3A_307 : i32 to index
        %get3A_309 = arith.constant 48 : index
        %get3A_310 = tpu.vector_load %arg9[%get3A_308, %get3A_309] {strides = array<i32>} : memref<40x128xf32, #tpu.memory_space<vmem>>, vector<1x16xf32>,
        %get3A_311 = vector.shape_cast %get3A_310 : vector<1x16xf32> to vector<16xf32>
        %mul3A_312 = arith.constant 2 : i32
        %mul3A_313 = arith.muli %mul3A_312, %scan3A_123 : i32
        %add3A_314 = arith.constant 1 : i32
        %add3A_315 = arith.addi %mul3A_313, %add3A_314 : i32
        %get3A_316 = arith.index_cast %add3A_315 : i32 to index
        %get3A_317 = arith.constant 112 : index
        %get3A_318 = tpu.vector_load %arg11[%get3A_316, %get3A_317] {strides = array<i32>} : memref<40x128xf32, #tpu.memory_space<vmem>>, vector<1x16xf32>,
        %get3A_319 = vector.shape_cast %get3A_318 : vector<1x16xf32> to vector<16xf32>
        %add3A_320 = arith.addf %get3A_311, %get3A_319 : vector<16xf32>
        %mul3A_321 = arith.constant 2 : i32
        %mul3A_322 = arith.muli %mul3A_321, %scan3A_123 : i32
        %add3A_323 = arith.constant 1 : i32
        %add3A_324 = arith.addi %mul3A_322, %add3A_323 : i32
        %swap3A_325 = arith.index_cast %add3A_324 : i32 to index
        %swap3A_326 = arith.constant 48 : index
        %swap3A_327 = tpu.vector_load %arg13[%swap3A_325, %swap3A_326] {strides = array<i32>} : memref<40x64xf32, #tpu.memory_space<vmem>>, vector<1x16xf32>,
        %swap3A_328 = vector.shape_cast %swap3A_327 : vector<1x16xf32> to vector<16xf32>
        %swap3A_329 = vector.shape_cast %add3A_320 : vector<16xf32> to vector<1x16xf32>
        tpu.vector_store %arg13[%swap3A_325, %swap3A_326], %swap3A_329 {strides = array<i32>} : memref<40x64xf32, #tpu.memory_space<vmem>>, vector<1x16xf32>,
      }
      %scan3A_108 = arith.constant 20 : i32
      %mul3A_109 = arith.constant 10000 : i32
      %mul3A_110 = arith.muli %add3A, %mul3A_109 : i32
      %mul3A_111 = arith.constant 40 : i32
      %mul3A_112 = arith.muli %add3A_85, %mul3A_111 : i32
      %add3A_113 = arith.addi %mul3A_110, %mul3A_112 : i32
      %dma_start3A_114 = arith.constant 0 : i32
      %dma_start3A_115 = tpu.memref_slice %arg5[%add3A_113, %dma_start3A_114] : memref<320000x64xf32, #tpu.memory_space<hbm>> -> memref<40x64xf32, #tpu.memory_space<hbm>>
      %dma_start3A_116 = arith.constant 0 : i32
      %dma_start3A_117 = tpu.memref_slice %arg5[%add3A_113, %dma_start3A_116] : memref<320000x64xf32, #tpu.memory_space<hbm>> -> memref<40x64xf32, #tpu.memory_space<hbm>>
      tpu.enqueue_dma source(%arg13 : memref<40x64xf32, #tpu.memory_space<vmem>>) target(%dma_start3A_117 : memref<40x64xf32, #tpu.memory_space<hbm>>) target_semaphore(%arg19 : memref<!tpu.dma_semaphore, #tpu.memory_space<semaphore_mem>>)
      %lt3A_118 = arith.constant 124 : i32
      %lt3A_119 = arith.cmpi slt, %scan3A_44, %lt3A_118 : i32
      %convert_element_type3A_120 = arith.extui %lt3A_119 : i1 to i32
      %cond3A_121 = arith.constant 0 : i32
      %cond3A_122 = arith.cmpi ne, %convert_element_type3A_120, %cond3A_121 : i32
      scf.if %cond3A_122 {
        %add3A_123 = arith.constant 2 : i32
        %add3A_124 = arith.addi %add3A_85, %add3A_123 : i32
        %dma_start3A_125 = arith.constant 0 : i32
        %dma_start3A_126 = tpu.memref_slice %arg6[%add3A_124, %dma_start3A_125] : memref<250x40xi32, #tpu.memory_space<vmem>> -> memref<1x40xi32, #tpu.memory_space<vmem>>
        %dma_start3A_127 = tpu.memref_squeeze %dma_start3A_126 : memref<1x40xi32, #tpu.memory_space<vmem>> -> memref<40xi32, #tpu.memory_space<vmem>>
        %dma_start3A_128 = arith.constant 0 : i32
        %dma_start3A_129 = arith.constant 0 : i32
        %dma_start3A_130 = tpu.memref_slice %arg2[%dma_start3A_128, %dma_start3A_129] : memref<10000x128xf32, #tpu.memory_space<hbm>> -> memref<10000x128xf32, #tpu.memory_space<hbm>>
        tpu.enqueue_indirect_dma source(%dma_start3A_130 : memref<10000x128xf32, #tpu.memory_space<hbm>>) target(%arg9 : memref<40x128xf32, #tpu.memory_space<vmem>>) offsets(%dma_start3A_127 : memref<40xi32, #tpu.memory_space<vmem>>) semaphore(%arg15 : memref<!tpu.dma_semaphore, #tpu.memory_space<semaphore_mem>>)
        %dma_start3A_131 = arith.constant 0 : i32
        %dma_start3A_132 = tpu.memref_slice %arg7[%add3A_124, %dma_start3A_131] : memref<250x40xi32, #tpu.memory_space<vmem>> -> memref<1x40xi32, #tpu.memory_space<vmem>>
        %dma_start3A_133 = tpu.memref_squeeze %dma_start3A_132 : memref<1x40xi32, #tpu.memory_space<vmem>> -> memref<40xi32, #tpu.memory_space<vmem>>
        %dma_start3A_134 = arith.constant 0 : i32
        %dma_start3A_135 = arith.constant 0 : i32
        %dma_start3A_136 = tpu.memref_slice %arg2[%dma_start3A_134, %dma_start3A_135] : memref<10000x128xf32, #tpu.memory_space<hbm>> -> memref<10000x128xf32, #tpu.memory_space<hbm>>
        tpu.enqueue_indirect_dma source(%dma_start3A_136 : memref<10000x128xf32, #tpu.memory_space<hbm>>) target(%arg11 : memref<40x128xf32, #tpu.memory_space<vmem>>) offsets(%dma_start3A_133 : memref<40xi32, #tpu.memory_space<vmem>>) semaphore(%arg17 : memref<!tpu.dma_semaphore, #tpu.memory_space<semaphore_mem>>)
      } else {
      }
    }
    %scan3A_32 = arith.constant 125 : i32
    %dma_wait3A = arith.constant 0 : i32
    %dma_wait3A_33 = arith.constant 0 : i32
    %dma_wait3A_34 = tpu.memref_slice %arg5[%dma_wait3A, %dma_wait3A_33] : memref<320000x64xf32, #tpu.memory_space<hbm>> -> memref<40x64xf32, #tpu.memory_space<hbm>>
    %dma_wait3A_35 = arith.constant 0 : i32
    %dma_wait3A_36 = arith.constant 0 : i32
    %dma_wait3A_37 = tpu.memref_slice %arg5[%dma_wait3A_35, %dma_wait3A_36] : memref<320000x64xf32, #tpu.memory_space<hbm>> -> memref<40x64xf32, #tpu.memory_space<hbm>>
    tpu.wait_dma2 semaphore(%arg18 : memref<!tpu.dma_semaphore, #tpu.memory_space<semaphore_mem>>) src(%dma_wait3A_37 : memref<40x64xf32, #tpu.memory_space<hbm>>) dst(%arg12 : memref<40x64xf32, #tpu.memory_space<vmem>>)
    %dma_wait3A_38 = arith.constant 0 : i32
    %dma_wait3A_39 = arith.constant 0 : i32
    %dma_wait3A_40 = tpu.memref_slice %arg5[%dma_wait3A_38, %dma_wait3A_39] : memref<320000x64xf32, #tpu.memory_space<hbm>> -> memref<40x64xf32, #tpu.memory_space<hbm>>
    %dma_wait3A_41 = arith.constant 0 : i32
    %dma_wait3A_42 = arith.constant 0 : i32
    %dma_wait3A_43 = tpu.memref_slice %arg5[%dma_wait3A_41, %dma_wait3A_42] : memref<320000x64xf32, #tpu.memory_space<hbm>> -> memref<40x64xf32, #tpu.memory_space<hbm>>
    tpu.wait_dma2 semaphore(%arg19 : memref<!tpu.dma_semaphore, #tpu.memory_space<semaphore_mem>>) src(%dma_wait3A_43 : memref<40x64xf32, #tpu.memory_space<hbm>>) dst(%arg13 : memref<40x64xf32, #tpu.memory_space<vmem>>)
    return
  }
}

module attributes {stable_mosaic.version = 14 : i64} {
  func.func @_proj_body(%arg0: i32, %arg1: memref<2000x128xf32, #tpu.memory_space<vmem>>, %arg2: memref<128x128xf32, #tpu.memory_space<vmem>>, %arg3: memref<2000x128xf32, #tpu.memory_space<vmem>>) attributes {dimension_semantics = [#tpu.dimension_semantics<arbitrary>], iteration_bounds = array<i64: 5>, scalar_prefetch = 0 : i64, scratch_operands = 0 : i64, tpu.core_type = #tpu.core_type<tc>, window_params = [{transform_indices = @transform_0, window_bounds = array<i64: 2000, 128>}, {pipeline_mode = #tpu.pipeline_mode<synchronous>, transform_indices = @transform_1, window_bounds = array<i64: 128, 128>}, {transform_indices = @transform_2, window_bounds = array<i64: 2000, 128>}]} {
    %get3A = arith.constant 0 : index
    %get3A_0 = arith.constant 0 : index
    %get3A_1 = vector.load %arg1[%get3A, %get3A_0] : memref<2000x128xf32, #tpu.memory_space<vmem>>, vector<2000x128xf32>
    %get3A_2 = arith.constant 0 : index
    %get3A_3 = arith.constant 0 : index
    %get3A_4 = vector.load %arg2[%get3A_2, %get3A_3] : memref<128x128xf32, #tpu.memory_space<vmem>>, vector<128x128xf32>
    %dot_general3A = arith.constant dense<0.000000e+00> : vector<2000x128xf32>
    %dot_general3A_5 = tpu.matmul %get3A_1, %get3A_4, %dot_general3A {dimension_numbers = #tpu.dot_dimension_numbers<[1], [0], [0], [1], [0, 0, 1, 1], [], []>, transpose_lhs_hint = false} : vector<2000x128xf32>, vector<128x128xf32>, vector<2000x128xf32> -> vector<2000x128xf32>
    %swap3A = arith.constant 0 : index
    %swap3A_6 = arith.constant 0 : index
    %swap3A_7 = vector.load %arg3[%swap3A, %swap3A_6] : memref<2000x128xf32, #tpu.memory_space<vmem>>, vector<2000x128xf32>
    tpu.vector_store %arg3[%swap3A, %swap3A_6], %dot_general3A_5 {strides = array<i32>} : memref<2000x128xf32, #tpu.memory_space<vmem>>, vector<2000x128xf32>,
    return
  }
  func.func @transform_0(%arg0: i32) -> (i32, i32) {
    %c0_i32 = arith.constant 0 : i32
    %c0_i32_0 = arith.constant 0 : i32
    return %arg0, %c0_i32 : i32, i32
  }
  func.func @transform_1(%arg0: i32) -> (i32, i32) {
    %c0_i32 = arith.constant 0 : i32
    %c0_i32_0 = arith.constant 0 : i32
    %c0_i32_1 = arith.constant 0 : i32
    return %c0_i32, %c0_i32_0 : i32, i32
  }
  func.func @transform_2(%arg0: i32) -> (i32, i32) {
    %c0_i32 = arith.constant 0 : i32
    %c0_i32_0 = arith.constant 0 : i32
    return %arg0, %c0_i32 : i32, i32
  }
}

module attributes {stable_mosaic.version = 14 : i64} {
  func.func @_edge_mlp_body(%arg0: i32, %arg1: memref<3200x16xf32, #tpu.memory_space<vmem>>, %arg2: memref<3200x64xf32, #tpu.memory_space<vmem>>, %arg3: memref<16x64xbf16, #tpu.memory_space<vmem>>, %arg4: memref<1x64xf32, #tpu.memory_space<vmem>>, %arg5: memref<64x64xbf16, #tpu.memory_space<vmem>>, %arg6: memref<1x64xf32, #tpu.memory_space<vmem>>, %arg7: memref<64x16xbf16, #tpu.memory_space<vmem>>, %arg8: memref<1x16xf32, #tpu.memory_space<vmem>>, %arg9: memref<3200x16xf32, #tpu.memory_space<vmem>>, %arg10: memref<400x128xf32, #tpu.memory_space<vmem>>) attributes {dimension_semantics = [#tpu.dimension_semantics<arbitrary>], iteration_bounds = array<i64: 100>, scalar_prefetch = 0 : i64, scratch_operands = 0 : i64, tpu.core_type = #tpu.core_type<tc>, window_params = [{transform_indices = @transform_0, window_bounds = array<i64: 3200, 16>}, {transform_indices = @transform_1, window_bounds = array<i64: 3200, 64>}, {pipeline_mode = #tpu.pipeline_mode<synchronous>, transform_indices = @transform_2, window_bounds = array<i64: 16, 64>}, {pipeline_mode = #tpu.pipeline_mode<synchronous>, transform_indices = @transform_3, window_bounds = array<i64: 1, 64>}, {pipeline_mode = #tpu.pipeline_mode<synchronous>, transform_indices = @transform_4, window_bounds = array<i64: 64, 64>}, {pipeline_mode = #tpu.pipeline_mode<synchronous>, transform_indices = @transform_5, window_bounds = array<i64: 1, 64>}, {pipeline_mode = #tpu.pipeline_mode<synchronous>, transform_indices = @transform_6, window_bounds = array<i64: 64, 16>}, {pipeline_mode = #tpu.pipeline_mode<synchronous>, transform_indices = @transform_7, window_bounds = array<i64: 1, 16>}, {transform_indices = @transform_8, window_bounds = array<i64: 3200, 16>}, {transform_indices = @transform_9, window_bounds = array<i64: 400, 128>}]} {
    %get3A = arith.constant 0 : index
    %get3A_0 = arith.constant 0 : index
    %get3A_1 = vector.load %arg1[%get3A, %get3A_0] : memref<3200x16xf32, #tpu.memory_space<vmem>>, vector<3200x16xf32>
    %convert_element_type3A = arith.truncf %get3A_1 : vector<3200x16xf32> to vector<3200x16xbf16>
    %get3A_2 = arith.constant 0 : index
    %get3A_3 = arith.constant 0 : index
    %get3A_4 = vector.load %arg3[%get3A_2, %get3A_3] : memref<16x64xbf16, #tpu.memory_space<vmem>>, vector<16x64xbf16>
    %dot_general3A = arith.constant dense<0.000000e+00> : vector<3200x64xf32>
    %dot_general3A_5 = tpu.matmul %convert_element_type3A, %get3A_4, %dot_general3A {dimension_numbers = #tpu.dot_dimension_numbers<[1], [0], [0], [1], [0, 0, 1, 1], [], []>, transpose_lhs_hint = false} : vector<3200x16xbf16>, vector<16x64xbf16>, vector<3200x64xf32> -> vector<3200x64xf32>
    %get3A_6 = arith.constant 0 : index
    %get3A_7 = arith.constant 0 : index
    %get3A_8 = vector.load %arg2[%get3A_6, %get3A_7] : memref<3200x64xf32, #tpu.memory_space<vmem>>, vector<3200x64xf32>
    %add3A = arith.addf %dot_general3A_5, %get3A_8 : vector<3200x64xf32>
    %get3A_9 = arith.constant 0 : index
    %get3A_10 = arith.constant 0 : index
    %get3A_11 = vector.load %arg4[%get3A_9, %get3A_10] : memref<1x64xf32, #tpu.memory_space<vmem>>, vector<1x64xf32>
    %add3A_12 = vector.broadcast %get3A_11 : vector<1x64xf32> to vector<3200x64xf32>
    %add3A_13 = arith.addf %add3A, %add3A_12 : vector<3200x64xf32>
    %max3A = arith.constant 0.000000e+00 : f32
    %max3A_14 = vector.broadcast %max3A : f32 to vector<3200x64xf32>
    %max3A_15 = arith.maximumf %add3A_13, %max3A_14 : vector<3200x64xf32>
    %convert_element_type3A_16 = arith.truncf %max3A_15 : vector<3200x64xf32> to vector<3200x64xbf16>
    %get3A_17 = arith.constant 0 : index
    %get3A_18 = arith.constant 0 : index
    %get3A_19 = vector.load %arg5[%get3A_17, %get3A_18] : memref<64x64xbf16, #tpu.memory_space<vmem>>, vector<64x64xbf16>
    %dot_general3A_20 = arith.constant dense<0.000000e+00> : vector<3200x64xf32>
    %dot_general3A_21 = tpu.matmul %convert_element_type3A_16, %get3A_19, %dot_general3A_20 {dimension_numbers = #tpu.dot_dimension_numbers<[1], [0], [0], [1], [0, 0, 1, 1], [], []>, transpose_lhs_hint = false} : vector<3200x64xbf16>, vector<64x64xbf16>, vector<3200x64xf32> -> vector<3200x64xf32>
    %get3A_22 = arith.constant 0 : index
    %get3A_23 = arith.constant 0 : index
    %get3A_24 = vector.load %arg6[%get3A_22, %get3A_23] : memref<1x64xf32, #tpu.memory_space<vmem>>, vector<1x64xf32>
    %add3A_25 = vector.broadcast %get3A_24 : vector<1x64xf32> to vector<3200x64xf32>
    %add3A_26 = arith.addf %dot_general3A_21, %add3A_25 : vector<3200x64xf32>
    %max3A_27 = arith.constant 0.000000e+00 : f32
    %max3A_28 = vector.broadcast %max3A_27 : f32 to vector<3200x64xf32>
    %max3A_29 = arith.maximumf %add3A_26, %max3A_28 : vector<3200x64xf32>
    %convert_element_type3A_30 = arith.truncf %max3A_29 : vector<3200x64xf32> to vector<3200x64xbf16>
    %get3A_31 = arith.constant 0 : index
    %get3A_32 = arith.constant 0 : index
    %get3A_33 = vector.load %arg7[%get3A_31, %get3A_32] : memref<64x16xbf16, #tpu.memory_space<vmem>>, vector<64x16xbf16>
    %dot_general3A_34 = arith.constant dense<0.000000e+00> : vector<3200x16xf32>
    %dot_general3A_35 = tpu.matmul %convert_element_type3A_30, %get3A_33, %dot_general3A_34 {dimension_numbers = #tpu.dot_dimension_numbers<[1], [0], [0], [1], [0, 0, 1, 1], [], []>, transpose_lhs_hint = false} : vector<3200x64xbf16>, vector<64x16xbf16>, vector<3200x16xf32> -> vector<3200x16xf32>
    %get3A_36 = arith.constant 0 : index
    %get3A_37 = arith.constant 0 : index
    %get3A_38 = vector.load %arg8[%get3A_36, %get3A_37] : memref<1x16xf32, #tpu.memory_space<vmem>>, vector<1x16xf32>
    %add3A_39 = vector.broadcast %get3A_38 : vector<1x16xf32> to vector<3200x16xf32>
    %add3A_40 = arith.addf %dot_general3A_35, %add3A_39 : vector<3200x16xf32>
    %max3A_41 = arith.constant 0.000000e+00 : f32
    %max3A_42 = vector.broadcast %max3A_41 : f32 to vector<3200x16xf32>
    %max3A_43 = arith.maximumf %add3A_40, %max3A_42 : vector<3200x16xf32>
    %swap3A = arith.constant 0 : index
    %swap3A_44 = arith.constant 0 : index
    %swap3A_45 = vector.load %arg9[%swap3A, %swap3A_44] : memref<3200x16xf32, #tpu.memory_space<vmem>>, vector<3200x16xf32>
    tpu.vector_store %arg9[%swap3A, %swap3A_44], %max3A_43 {strides = array<i32>} : memref<3200x16xf32, #tpu.memory_space<vmem>>, vector<3200x16xf32>,
    %reshape3A = vector.shape_cast %max3A_43 : vector<3200x16xf32> to vector<400x8x16xf32>
    %slice3A = vector.extract_strided_slice %reshape3A {offsets = [0, 0, 0], sizes = [400, 1, 16], strides = [1, 1, 1]} : vector<400x8x16xf32> to vector<400x1x16xf32>
    %squeeze3A = vector.shape_cast %slice3A : vector<400x1x16xf32> to vector<400x16xf32>
    %swap3A_46 = arith.constant 0 : index
    %swap3A_47 = arith.constant 0 : index
    %swap3A_48 = vector.load %arg10[%swap3A_46, %swap3A_47] : memref<400x128xf32, #tpu.memory_space<vmem>>, vector<400x16xf32>
    tpu.vector_store %arg10[%swap3A_46, %swap3A_47], %squeeze3A {strides = array<i32>} : memref<400x128xf32, #tpu.memory_space<vmem>>, vector<400x16xf32>,
    %slice3A_49 = vector.extract_strided_slice %reshape3A {offsets = [0, 1, 0], sizes = [400, 1, 16], strides = [1, 1, 1]} : vector<400x8x16xf32> to vector<400x1x16xf32>
    %squeeze3A_50 = vector.shape_cast %slice3A_49 : vector<400x1x16xf32> to vector<400x16xf32>
    %swap3A_51 = arith.constant 0 : index
    %swap3A_52 = arith.constant 16 : index
    %swap3A_53 = vector.load %arg10[%swap3A_51, %swap3A_52] : memref<400x128xf32, #tpu.memory_space<vmem>>, vector<400x16xf32>
    tpu.vector_store %arg10[%swap3A_51, %swap3A_52], %squeeze3A_50 {strides = array<i32>} : memref<400x128xf32, #tpu.memory_space<vmem>>, vector<400x16xf32>,
    %slice3A_54 = vector.extract_strided_slice %reshape3A {offsets = [0, 2, 0], sizes = [400, 1, 16], strides = [1, 1, 1]} : vector<400x8x16xf32> to vector<400x1x16xf32>
    %squeeze3A_55 = vector.shape_cast %slice3A_54 : vector<400x1x16xf32> to vector<400x16xf32>
    %swap3A_56 = arith.constant 0 : index
    %swap3A_57 = arith.constant 32 : index
    %swap3A_58 = vector.load %arg10[%swap3A_56, %swap3A_57] : memref<400x128xf32, #tpu.memory_space<vmem>>, vector<400x16xf32>
    tpu.vector_store %arg10[%swap3A_56, %swap3A_57], %squeeze3A_55 {strides = array<i32>} : memref<400x128xf32, #tpu.memory_space<vmem>>, vector<400x16xf32>,
    %slice3A_59 = vector.extract_strided_slice %reshape3A {offsets = [0, 3, 0], sizes = [400, 1, 16], strides = [1, 1, 1]} : vector<400x8x16xf32> to vector<400x1x16xf32>
    %squeeze3A_60 = vector.shape_cast %slice3A_59 : vector<400x1x16xf32> to vector<400x16xf32>
    %swap3A_61 = arith.constant 0 : index
    %swap3A_62 = arith.constant 48 : index
    %swap3A_63 = vector.load %arg10[%swap3A_61, %swap3A_62] : memref<400x128xf32, #tpu.memory_space<vmem>>, vector<400x16xf32>
    tpu.vector_store %arg10[%swap3A_61, %swap3A_62], %squeeze3A_60 {strides = array<i32>} : memref<400x128xf32, #tpu.memory_space<vmem>>, vector<400x16xf32>,
    %slice3A_64 = vector.extract_strided_slice %reshape3A {offsets = [0, 4, 0], sizes = [400, 1, 16], strides = [1, 1, 1]} : vector<400x8x16xf32> to vector<400x1x16xf32>
    %squeeze3A_65 = vector.shape_cast %slice3A_64 : vector<400x1x16xf32> to vector<400x16xf32>
    %swap3A_66 = arith.constant 0 : index
    %swap3A_67 = arith.constant 64 : index
    %swap3A_68 = vector.load %arg10[%swap3A_66, %swap3A_67] : memref<400x128xf32, #tpu.memory_space<vmem>>, vector<400x16xf32>
    tpu.vector_store %arg10[%swap3A_66, %swap3A_67], %squeeze3A_65 {strides = array<i32>} : memref<400x128xf32, #tpu.memory_space<vmem>>, vector<400x16xf32>,
    %slice3A_69 = vector.extract_strided_slice %reshape3A {offsets = [0, 5, 0], sizes = [400, 1, 16], strides = [1, 1, 1]} : vector<400x8x16xf32> to vector<400x1x16xf32>
    %squeeze3A_70 = vector.shape_cast %slice3A_69 : vector<400x1x16xf32> to vector<400x16xf32>
    %swap3A_71 = arith.constant 0 : index
    %swap3A_72 = arith.constant 80 : index
    %swap3A_73 = vector.load %arg10[%swap3A_71, %swap3A_72] : memref<400x128xf32, #tpu.memory_space<vmem>>, vector<400x16xf32>
    tpu.vector_store %arg10[%swap3A_71, %swap3A_72], %squeeze3A_70 {strides = array<i32>} : memref<400x128xf32, #tpu.memory_space<vmem>>, vector<400x16xf32>,
    %slice3A_74 = vector.extract_strided_slice %reshape3A {offsets = [0, 6, 0], sizes = [400, 1, 16], strides = [1, 1, 1]} : vector<400x8x16xf32> to vector<400x1x16xf32>
    %squeeze3A_75 = vector.shape_cast %slice3A_74 : vector<400x1x16xf32> to vector<400x16xf32>
    %swap3A_76 = arith.constant 0 : index
    %swap3A_77 = arith.constant 96 : index
    %swap3A_78 = vector.load %arg10[%swap3A_76, %swap3A_77] : memref<400x128xf32, #tpu.memory_space<vmem>>, vector<400x16xf32>
    tpu.vector_store %arg10[%swap3A_76, %swap3A_77], %squeeze3A_75 {strides = array<i32>} : memref<400x128xf32, #tpu.memory_space<vmem>>, vector<400x16xf32>,
    %slice3A_79 = vector.extract_strided_slice %reshape3A {offsets = [0, 7, 0], sizes = [400, 1, 16], strides = [1, 1, 1]} : vector<400x8x16xf32> to vector<400x1x16xf32>
    %squeeze3A_80 = vector.shape_cast %slice3A_79 : vector<400x1x16xf32> to vector<400x16xf32>
    %swap3A_81 = arith.constant 0 : index
    %swap3A_82 = arith.constant 112 : index
    %swap3A_83 = vector.load %arg10[%swap3A_81, %swap3A_82] : memref<400x128xf32, #tpu.memory_space<vmem>>, vector<400x16xf32>
    tpu.vector_store %arg10[%swap3A_81, %swap3A_82], %squeeze3A_80 {strides = array<i32>} : memref<400x128xf32, #tpu.memory_space<vmem>>, vector<400x16xf32>,
    return
  }
  func.func @transform_0(%arg0: i32) -> (i32, i32) {
    %c0_i32 = arith.constant 0 : i32
    %c0_i32_0 = arith.constant 0 : i32
    return %arg0, %c0_i32 : i32, i32
  }
  func.func @transform_1(%arg0: i32) -> (i32, i32) {
    %c0_i32 = arith.constant 0 : i32
    %c0_i32_0 = arith.constant 0 : i32
    return %arg0, %c0_i32 : i32, i32
  }
  func.func @transform_2(%arg0: i32) -> (i32, i32) {
    %c0_i32 = arith.constant 0 : i32
    %c0_i32_0 = arith.constant 0 : i32
    %c0_i32_1 = arith.constant 0 : i32
    return %c0_i32, %c0_i32_0 : i32, i32
  }
  func.func @transform_3(%arg0: i32) -> (i32, i32) {
    %c0_i32 = arith.constant 0 : i32
    %c0_i32_0 = arith.constant 0 : i32
    %c0_i32_1 = arith.constant 0 : i32
    return %c0_i32, %c0_i32_0 : i32, i32
  }
  func.func @transform_4(%arg0: i32) -> (i32, i32) {
    %c0_i32 = arith.constant 0 : i32
    %c0_i32_0 = arith.constant 0 : i32
    %c0_i32_1 = arith.constant 0 : i32
    return %c0_i32, %c0_i32_0 : i32, i32
  }
  func.func @transform_5(%arg0: i32) -> (i32, i32) {
    %c0_i32 = arith.constant 0 : i32
    %c0_i32_0 = arith.constant 0 : i32
    %c0_i32_1 = arith.constant 0 : i32
    return %c0_i32, %c0_i32_0 : i32, i32
  }
  func.func @transform_6(%arg0: i32) -> (i32, i32) {
    %c0_i32 = arith.constant 0 : i32
    %c0_i32_0 = arith.constant 0 : i32
    %c0_i32_1 = arith.constant 0 : i32
    return %c0_i32, %c0_i32_0 : i32, i32
  }
  func.func @transform_7(%arg0: i32) -> (i32, i32) {
    %c0_i32 = arith.constant 0 : i32
    %c0_i32_0 = arith.constant 0 : i32
    %c0_i32_1 = arith.constant 0 : i32
    return %c0_i32, %c0_i32_0 : i32, i32
  }
  func.func @transform_8(%arg0: i32) -> (i32, i32) {
    %c0_i32 = arith.constant 0 : i32
    %c0_i32_0 = arith.constant 0 : i32
    return %arg0, %c0_i32 : i32, i32
  }
  func.func @transform_9(%arg0: i32) -> (i32, i32) {
    %c0_i32 = arith.constant 0 : i32
    %c0_i32_0 = arith.constant 0 : i32
    return %arg0, %c0_i32 : i32, i32
  }
}

module attributes {stable_mosaic.version = 14 : i64} {
  func.func @_node_mlp_body(%arg0: i32, %arg1: memref<2x2000x16xf32, #tpu.memory_space<vmem>>, %arg2: memref<2000x128xf32, #tpu.memory_space<vmem>>, %arg3: memref<16x64xf32, #tpu.memory_space<vmem>>, %arg4: memref<128x64xf32, #tpu.memory_space<vmem>>, %arg5: memref<1x64xf32, #tpu.memory_space<vmem>>, %arg6: memref<64x64xf32, #tpu.memory_space<vmem>>, %arg7: memref<1x64xf32, #tpu.memory_space<vmem>>, %arg8: memref<64x128xf32, #tpu.memory_space<vmem>>, %arg9: memref<1x128xf32, #tpu.memory_space<vmem>>, %arg10: memref<2000x128xf32, #tpu.memory_space<vmem>>) attributes {dimension_semantics = [#tpu.dimension_semantics<arbitrary>], iteration_bounds = array<i64: 5>, scalar_prefetch = 0 : i64, scratch_operands = 0 : i64, tpu.core_type = #tpu.core_type<tc>, window_params = [{transform_indices = @transform_0, window_bounds = array<i64: 2, 2000, 16>}, {transform_indices = @transform_1, window_bounds = array<i64: 2000, 128>}, {pipeline_mode = #tpu.pipeline_mode<synchronous>, transform_indices = @transform_2, window_bounds = array<i64: 16, 64>}, {pipeline_mode = #tpu.pipeline_mode<synchronous>, transform_indices = @transform_3, window_bounds = array<i64: 128, 64>}, {pipeline_mode = #tpu.pipeline_mode<synchronous>, transform_indices = @transform_4, window_bounds = array<i64: 1, 64>}, {pipeline_mode = #tpu.pipeline_mode<synchronous>, transform_indices = @transform_5, window_bounds = array<i64: 64, 64>}, {pipeline_mode = #tpu.pipeline_mode<synchronous>, transform_indices = @transform_6, window_bounds = array<i64: 1, 64>}, {pipeline_mode = #tpu.pipeline_mode<synchronous>, transform_indices = @transform_7, window_bounds = array<i64: 64, 128>}, {pipeline_mode = #tpu.pipeline_mode<synchronous>, transform_indices = @transform_8, window_bounds = array<i64: 1, 128>}, {transform_indices = @transform_9, window_bounds = array<i64: 2000, 128>}]} {
    %get3A = arith.constant 0 : index
    %get3A_0 = arith.constant 0 : index
    %get3A_1 = arith.constant 0 : index
    %get3A_2 = vector.load %arg1[%get3A, %get3A_0, %get3A_1] : memref<2x2000x16xf32, #tpu.memory_space<vmem>>, vector<1x2000x16xf32>
    %get3A_3 = vector.shape_cast %get3A_2 : vector<1x2000x16xf32> to vector<2000x16xf32>
    %get3A_4 = arith.constant 1 : index
    %get3A_5 = arith.constant 0 : index
    %get3A_6 = arith.constant 0 : index
    %get3A_7 = vector.load %arg1[%get3A_4, %get3A_5, %get3A_6] : memref<2x2000x16xf32, #tpu.memory_space<vmem>>, vector<1x2000x16xf32>
    %get3A_8 = vector.shape_cast %get3A_7 : vector<1x2000x16xf32> to vector<2000x16xf32>
    %add3A = arith.addf %get3A_3, %get3A_8 : vector<2000x16xf32>
    %get3A_9 = arith.constant 0 : index
    %get3A_10 = arith.constant 0 : index
    %get3A_11 = vector.load %arg3[%get3A_9, %get3A_10] : memref<16x64xf32, #tpu.memory_space<vmem>>, vector<16x64xf32>
    %dot_general3A = arith.constant dense<0.000000e+00> : vector<2000x64xf32>
    %dot_general3A_12 = tpu.matmul %add3A, %get3A_11, %dot_general3A {dimension_numbers = #tpu.dot_dimension_numbers<[1], [0], [0], [1], [0, 0, 1, 1], [], []>, transpose_lhs_hint = false} : vector<2000x16xf32>, vector<16x64xf32>, vector<2000x64xf32> -> vector<2000x64xf32>
    %get3A_13 = arith.constant 0 : index
    %get3A_14 = arith.constant 0 : index
    %get3A_15 = vector.load %arg2[%get3A_13, %get3A_14] : memref<2000x128xf32, #tpu.memory_space<vmem>>, vector<2000x128xf32>
    %get3A_16 = arith.constant 0 : index
    %get3A_17 = arith.constant 0 : index
    %get3A_18 = vector.load %arg4[%get3A_16, %get3A_17] : memref<128x64xf32, #tpu.memory_space<vmem>>, vector<128x64xf32>
    %dot_general3A_19 = arith.constant dense<0.000000e+00> : vector<2000x64xf32>
    %dot_general3A_20 = tpu.matmul %get3A_15, %get3A_18, %dot_general3A_19 {dimension_numbers = #tpu.dot_dimension_numbers<[1], [0], [0], [1], [0, 0, 1, 1], [], []>, transpose_lhs_hint = false} : vector<2000x128xf32>, vector<128x64xf32>, vector<2000x64xf32> -> vector<2000x64xf32>
    %add3A_21 = arith.addf %dot_general3A_12, %dot_general3A_20 : vector<2000x64xf32>
    %get3A_22 = arith.constant 0 : index
    %get3A_23 = arith.constant 0 : index
    %get3A_24 = vector.load %arg5[%get3A_22, %get3A_23] : memref<1x64xf32, #tpu.memory_space<vmem>>, vector<1x64xf32>
    %add3A_25 = vector.broadcast %get3A_24 : vector<1x64xf32> to vector<2000x64xf32>
    %add3A_26 = arith.addf %add3A_21, %add3A_25 : vector<2000x64xf32>
    %max3A = arith.constant 0.000000e+00 : f32
    %max3A_27 = vector.broadcast %max3A : f32 to vector<2000x64xf32>
    %max3A_28 = arith.maximumf %add3A_26, %max3A_27 : vector<2000x64xf32>
    %get3A_29 = arith.constant 0 : index
    %get3A_30 = arith.constant 0 : index
    %get3A_31 = vector.load %arg6[%get3A_29, %get3A_30] : memref<64x64xf32, #tpu.memory_space<vmem>>, vector<64x64xf32>
    %dot_general3A_32 = arith.constant dense<0.000000e+00> : vector<2000x64xf32>
    %dot_general3A_33 = tpu.matmul %max3A_28, %get3A_31, %dot_general3A_32 {dimension_numbers = #tpu.dot_dimension_numbers<[1], [0], [0], [1], [0, 0, 1, 1], [], []>, transpose_lhs_hint = false} : vector<2000x64xf32>, vector<64x64xf32>, vector<2000x64xf32> -> vector<2000x64xf32>
    %get3A_34 = arith.constant 0 : index
    %get3A_35 = arith.constant 0 : index
    %get3A_36 = vector.load %arg7[%get3A_34, %get3A_35] : memref<1x64xf32, #tpu.memory_space<vmem>>, vector<1x64xf32>
    %add3A_37 = vector.broadcast %get3A_36 : vector<1x64xf32> to vector<2000x64xf32>
    %add3A_38 = arith.addf %dot_general3A_33, %add3A_37 : vector<2000x64xf32>
    %max3A_39 = arith.constant 0.000000e+00 : f32
    %max3A_40 = vector.broadcast %max3A_39 : f32 to vector<2000x64xf32>
    %max3A_41 = arith.maximumf %add3A_38, %max3A_40 : vector<2000x64xf32>
    %get3A_42 = arith.constant 0 : index
    %get3A_43 = arith.constant 0 : index
    %get3A_44 = vector.load %arg8[%get3A_42, %get3A_43] : memref<64x128xf32, #tpu.memory_space<vmem>>, vector<64x128xf32>
    %dot_general3A_45 = arith.constant dense<0.000000e+00> : vector<2000x128xf32>
    %dot_general3A_46 = tpu.matmul %max3A_41, %get3A_44, %dot_general3A_45 {dimension_numbers = #tpu.dot_dimension_numbers<[1], [0], [0], [1], [0, 0, 1, 1], [], []>, transpose_lhs_hint = false} : vector<2000x64xf32>, vector<64x128xf32>, vector<2000x128xf32> -> vector<2000x128xf32>
    %get3A_47 = arith.constant 0 : index
    %get3A_48 = arith.constant 0 : index
    %get3A_49 = vector.load %arg9[%get3A_47, %get3A_48] : memref<1x128xf32, #tpu.memory_space<vmem>>, vector<1x128xf32>
    %add3A_50 = vector.broadcast %get3A_49 : vector<1x128xf32> to vector<2000x128xf32>
    %add3A_51 = arith.addf %dot_general3A_46, %add3A_50 : vector<2000x128xf32>
    %max3A_52 = arith.constant 0.000000e+00 : f32
    %max3A_53 = vector.broadcast %max3A_52 : f32 to vector<2000x128xf32>
    %max3A_54 = arith.maximumf %add3A_51, %max3A_53 : vector<2000x128xf32>
    %swap3A = arith.constant 0 : index
    %swap3A_55 = arith.constant 0 : index
    %swap3A_56 = vector.load %arg10[%swap3A, %swap3A_55] : memref<2000x128xf32, #tpu.memory_space<vmem>>, vector<2000x128xf32>
    tpu.vector_store %arg10[%swap3A, %swap3A_55], %max3A_54 {strides = array<i32>} : memref<2000x128xf32, #tpu.memory_space<vmem>>, vector<2000x128xf32>,
    return
  }
  func.func @transform_0(%arg0: i32) -> (i32, i32, i32) {
    %c0_i32 = arith.constant 0 : i32
    %c0_i32_0 = arith.constant 0 : i32
    %c0_i32_1 = arith.constant 0 : i32
    return %c0_i32, %arg0, %c0_i32_0 : i32, i32, i32
  }
  func.func @transform_1(%arg0: i32) -> (i32, i32) {
    %c0_i32 = arith.constant 0 : i32
    %c0_i32_0 = arith.constant 0 : i32
    return %arg0, %c0_i32 : i32, i32
  }
  func.func @transform_2(%arg0: i32) -> (i32, i32) {
    %c0_i32 = arith.constant 0 : i32
    %c0_i32_0 = arith.constant 0 : i32
    %c0_i32_1 = arith.constant 0 : i32
    return %c0_i32, %c0_i32_0 : i32, i32
  }
  func.func @transform_3(%arg0: i32) -> (i32, i32) {
    %c0_i32 = arith.constant 0 : i32
    %c0_i32_0 = arith.constant 0 : i32
    %c0_i32_1 = arith.constant 0 : i32
    return %c0_i32, %c0_i32_0 : i32, i32
  }
  func.func @transform_4(%arg0: i32) -> (i32, i32) {
    %c0_i32 = arith.constant 0 : i32
    %c0_i32_0 = arith.constant 0 : i32
    %c0_i32_1 = arith.constant 0 : i32
    return %c0_i32, %c0_i32_0 : i32, i32
  }
  func.func @transform_5(%arg0: i32) -> (i32, i32) {
    %c0_i32 = arith.constant 0 : i32
    %c0_i32_0 = arith.constant 0 : i32
    %c0_i32_1 = arith.constant 0 : i32
    return %c0_i32, %c0_i32_0 : i32, i32
  }
  func.func @transform_6(%arg0: i32) -> (i32, i32) {
    %c0_i32 = arith.constant 0 : i32
    %c0_i32_0 = arith.constant 0 : i32
    %c0_i32_1 = arith.constant 0 : i32
    return %c0_i32, %c0_i32_0 : i32, i32
  }
  func.func @transform_7(%arg0: i32) -> (i32, i32) {
    %c0_i32 = arith.constant 0 : i32
    %c0_i32_0 = arith.constant 0 : i32
    %c0_i32_1 = arith.constant 0 : i32
    return %c0_i32, %c0_i32_0 : i32, i32
  }
  func.func @transform_8(%arg0: i32) -> (i32, i32) {
    %c0_i32 = arith.constant 0 : i32
    %c0_i32_0 = arith.constant 0 : i32
    %c0_i32_1 = arith.constant 0 : i32
    return %c0_i32, %c0_i32_0 : i32, i32
  }
  func.func @transform_9(%arg0: i32) -> (i32, i32) {
    %c0_i32 = arith.constant 0 : i32
    %c0_i32_0 = arith.constant 0 : i32
    return %arg0, %c0_i32 : i32, i32
  }
}

</mosaic_0001>

<sc_bundles>
// kernel: kernel.10.cloned.1.call-start
scs
__scs_entry_jumppad:
0x0: {  	(pc) =	sbr.rel $0x88, $3  }
0x1: {  	(tag) =	ssettag $0x0;
	lr =	simm.s32 $0x1  }
0x2: {  	[smem:$0x3F92] =	sst lr;
	_ =	strace $0xD0000000  }
0x3: {  	_ = 	snop  }
0x4: {  	_ = 	snop  }
0x5: {  	_ = 	snop  }
0x6: {  	_ = 	snop  }
0x7: {  	_ = 	snop  }
__scs_overlays_trampoline_lowered:
0x8: {  	[smem:$0x3FA1] =	sst s0  }
0x9: {  	[smem:$0x3FA2] =	sst s1  }
0xa: {  	[smem:$0x3FA3] =	sst s2  }
0xb: {  	[smem:$0x3FA4] =	sst s3  }
0xc: {  	[smem:$0x3FA5] =	sst s4  }
0xd: {  	[smem:$0x3FA6] =	sst s5  }
0xe: {  	[smem:$0x3FA7] =	sst s6  }
0xf: {  	[smem:$0x3FA8] =	sst s7  }
0x10: {  	[smem:$0x3FA9] =	sst s8  }
0x11: {  	[smem:$0x3FAA] =	sst s9;
	s0 =	simm.s32 @!p0 $0x0  }
0x12: {  	s1 =	sld [smem:$0x3F90];
	s0 =	simm.s32 @p0 $0x1  }
0x13: {  	[smem:$0x3FAB] =	sst s0;
	s0 =	simm.s32 @!p1 $0x0  }
0x14: {  	s2 =	sld [smem:$0x3F8F];
	s0 =	simm.s32 @p1 $0x1  }
0x15: {  	[smem:$0x3FAC] =	sst s0;
	s0 =	simm.s32 @!p2 $0x0  }
0x16: {  	s3 =	sld [smem:$0x3FDB];
	s0 =	simm.s32 @p2 $0x1  }
0x17: {  	s4 =	simm.s32 $0x1BF5;
	[smem:$0x3FAE] =	sst s0  }
0x18: {  	s0 =	sld [smem:$0x3F91];
	_ =	swait.ge [sflag:s4], $0x0  }
0x19: {  	s7 =	sld [smem:$0x3F92]  }
0x1a: {  	s8 =	sadd.s32 $0xFFFFE003, lr  }
0x1b: {  	s9 =	sadd.s32 $0xFFFFFEF7, lr;
	s5 =	simm.s32 $0xFFFFFFFF;
	p2 =	slt.u32 s8, $0xFFFFF086  }
0x1c: {  	p1 =	slt.u32 s9, $0xF7A;
	s5 =	simm.s32 @!p2 $0x0  }
0x1d: {  	s5 =	simm.s32 @p1 $0x1;
	p0 =	seq.s32 s7, s2  }
0x1e: {  	s7 =	smul.u32 @!p0 $0xF7A, s2;
	p2 =	seq.s32 @!p0 s5, $0x0  }
0x1f: {  	s9 =	smul.u32 $0xF7A, s1;
	s8 =	simm.s32 @!p0 $0x1BF5;
	p2 =	por !p2, p0  }
0x20: {  	[sflag:s8] =	ssyncset.s32 @!p0 $0xFFFFF086;
	s6 =	sadd.s32 @!p0 s3, s7;
	s7 =	simm.s32 @!p0 $0x108  }
0x21: {  	s3 =	sadd.s32 s3, s9;
	s6 =	sadd.s32 @!p0 $0x88, s6;
	s7 =	simm.s32 @p2 $0x1082  }
0x22: {  	[simem:s7], [sflag:s8] =	dma.local @!p0 [hbm:s6], $0xF7A  }
0x23: {  	s9 =	sor.u32 $0xD0000000, s2;
	s6 =	simm.s32 $0x108;
	_ =	swait.ge @!p0 [sflag:s8], $0x0  }
0x24: {  	s3 =	sadd.s32 $0x88, s3;
	s6 =	simm.s32 @!p1 $0x1082;
	[sflag:s4] =	ssyncset.s32 $0xFFFFF086  }
0x25: {  	[simem:s6], [sflag:s4] =	dma.local [hbm:s3], $0xF7A  }
0x26: {  	[smem:$0x3F92] =	sst s1;
	(tag) =	ssettag s2;
	_ =	strace s9  }
0x27: {  	s1 =	sld [smem:$0x3FA2]  }
0x28: {  	s2 =	sld [smem:$0x3FA3]  }
0x29: {  	s4 =	sld [smem:$0x3FA5]  }
0x2a: {  	p0 =	seq.s32 s5, $0x0;
	s5 =	sld [smem:$0x3FA6]  }
0x2b: {  	s6 =	sld [smem:$0x3FA7]  }
0x2c: {  	s7 =	sld [smem:$0x3FA8]  }
0x2d: {  	s3 =	simm.s32 $0x108;
	s8 =	sld [smem:$0x3FA9]  }
0x2e: {  	s3 =	simm.s32 @!p0 $0x1082;
	s9 =	sld [smem:$0x3FAA]  }
0x2f: {  	lr =	sadd.s32 s0, s3;
	s0 =	sld [smem:$0x3FA1]  }
0x30: {  	s3 =	sld [smem:$0x3FA4]  }
0x31: {  	[smem:$0x3FAD] =	sst s10  }
0x32: {  	s10 =	sld [smem:$0x3FAB];
	_ =	sdelay $0x3  }
0x33: {  	p0 =	seq.s32 s10, $0x1;
	s10 =	sld [smem:$0x3FAD];
	_ =	sdelay $0x3  }
0x34: {  	[smem:$0x3FAD] =	sst s10  }
0x35: {  	s10 =	sld [smem:$0x3FAC];
	_ =	sdelay $0x3  }
0x36: {  	p1 =	seq.s32 s10, $0x1;
	s10 =	sld [smem:$0x3FAD];
	_ =	sdelay $0x3  }
0x37: {  	[smem:$0x3FAD] =	sst s10  }
0x38: {  	s10 =	sld [smem:$0x3FAE]  }
0x39: {  	_ = 	snop;
	(pc) =	sbr.ind lr, $3  }
0x3a: {  	_ = 	snop  }
0x3b: {  	_ = 	snop  }
0x3c: {  	p2 =	seq.s32 s10, $0x1;
	s10 =	sld [smem:$0x3FAD]  }
0x3d: {  	_ =	shalt  }
0x3e: {  	_ =	shalt  }
0x3f: {  	_ =	shalt  }
0x40: {  	_ =	shalt  }
0x41: {  	_ =	shalt  }
0x42: {  	_ =	shalt  }
0x43: {  	_ =	shalt  }
0x44: {  	_ =	shalt  }
0x45: {  	_ =	shalt  }
0x46: {  	_ =	shalt  }
0x47: {  	_ =	shalt  }
0x48: {  	_ =	shalt  }
0x49: {  	_ =	shalt  }
0x4a: {  	_ =	shalt  }
0x4b: {  	_ =	shalt  }
0x4c: {  	_ =	shalt  }
0x4d: {  	_ =	shalt  }
0x4e: {  	_ =	shalt  }
0x4f: {  	_ =	shalt  }
0x50: {  	_ =	shalt  }
0x51: {  	_ =	shalt  }
0x52: {  	_ =	shalt  }
0x53: {  	_ =	shalt  }
0x54: {  	_ =	shalt  }
0x55: {  	_ =	shalt  }
0x56: {  	_ =	shalt  }
0x57: {  	_ =	shalt  }
0x58: {  	_ =	shalt  }
0x59: {  	_ =	shalt  }
0x5a: {  	_ =	shalt  }
0x5b: {  	_ =	shalt  }
0x5c: {  	_ =	shalt  }
0x5d: {  	_ =	shalt  }
0x5e: {  	_ =	shalt  }
0x5f: {  	_ =	shalt  }
0x60: {  	_ =	shalt  }
0x61: {  	_ =	shalt  }
0x62: {  	_ =	shalt  }
0x63: {  	_ =	shalt  }
0x64: {  	_ =	shalt  }
0x65: {  	_ =	shalt  }
0x66: {  	_ =	shalt  }
0x67: {  	_ =	shalt  }
0x68: {  	_ =	shalt  }
0x69: {  	_ =	shalt  }
0x6a: {  	_ =	shalt  }
0x6b: {  	_ =	shalt  }
0x6c: {  	_ =	shalt  }
0x6d: {  	_ =	shalt  }
0x6e: {  	_ =	shalt  }
0x6f: {  	_ =	shalt  }
0x70: {  	_ =	shalt  }
0x71: {  	_ =	shalt  }
0x72: {  	_ =	shalt  }
0x73: {  	_ =	shalt  }
0x74: {  	_ =	shalt  }
0x75: {  	_ =	shalt  }
0x76: {  	_ =	shalt  }
0x77: {  	_ =	shalt  }
0x78: {  	_ =	shalt  }
0x79: {  	_ =	shalt  }
0x7a: {  	_ =	shalt  }
0x7b: {  	_ =	shalt  }
0x7c: {  	_ =	shalt  }
0x7d: {  	_ =	shalt  }
0x7e: {  	_ =	shalt  }
0x7f: {  	_ =	shalt  }
0x80: {  	_ =	shalt  }
0x81: {  	_ =	shalt  }
0x82: {  	_ =	shalt  }
0x83: {  	_ =	shalt  }
0x84: {  	_ =	shalt  }
0x85: {  	_ =	shalt  }
0x86: {  	_ =	shalt  }
0x87: {  	_ =	shalt  }
.Lfunc_end0:
.L_simem_size_0:
called_computation.1_lowered:
.L_overlay_start_0:
0x88: {  	s2 =	sld [smem:$0x3FD9]  }
0x89: {  	s3 =	sld [smem:$0x3FFE];
	_ =	sdelay $0x1  }
0x8a: {  	s1 =	srdreg.scid  }
0x8b: {  	s0 =	sand.u32 $0x1, s1  }
0x8c: {  	s14 =	sshll.u32 s0, $0xA;
	s2 =	sadd.s32 s3, s2  }
0x8d: {  	s2 =	sadd.s32 s2, s14  }
0x8e: {  	[smem:$0x3FB9] =	sst s2  }
0x8f: {  	_ = 	snop  }
0x90: {  	s2 =	sld [smem:$0x3FD0];
	_ =	sdelay $0x2  }
0x91: {  	s15 =	simm.s32 $0xA;
	s4 =	simm.s32 $0x10  }
0x92: {  	[smem:s4], [sflag:s15] =	dma.local [hbm:s2], $0x1  }
0x93: {  	_ =	swait.eq [sflag:s15], $0x1  }
0x94: {  	[sflag:s15] =	ssyncset.done $0x0  }
0x95: {  	[sflag:s15] =	ssyncadd.s32 $0xFFFFFFFF  }
0x96: {  	s16 =	sld [smem:$0x10];
	(tm) =	ssettm $0x1  }
0x97: {  	s17 =	sld [smem:$0x3FFB];
	_ =	sdelay $0x3  }
0x98: {  	_ =	strace s17  }
0x99: {  	s3 =	sld [smem:$0x3FFC];
	_ =	sdelay $0x3  }
0x9a: {  	_ =	strace s3  }
0x9b: {  	s3 =	sld [smem:$0x3FFD];
	_ =	sdelay $0x3  }
0x9c: {  	_ =	strace s3  }
0x9d: {  	_ =	strace $0x8FFFFFFF  }
0x9e: {  	s18 =	sld [smem:$0x3FDB];
	_ =	sdelay $0x1  }
0x9f: {  	s19 =	simm.s32 $_scs_section_size  }
0xa0: {  	s5 =	simm.s32 $_size__tile_overlayer_lowered;
	s6 =	simm.s32 $_tile_overlayer_lowered  }
0xa1: {  	s22 =	simm.s32 $0x1BFF;
	s21 =	sshll.u32 s6, $0x1;
	s3 =	sadd.s32 s19, s18  }
0xa2: {  	s7 =	simm.s32 $0x0;
	s20 =	sshll.u32 s5, $0x1;
	s5 =	sadd.s32 s21, s3  }
0xa3: {  	[timem:s7], [sflag:s22] =	dma.local [hbm:s5], s20  }
0xa4: {  	_ =	swait.ge [sflag:s22], s20  }
0xa5: {  	s4 =	ssub.s32 $0x0, s20;
	[sflag:s22] =	ssyncset.done $0x0  }
0xa6: {  	[sflag:s22] =	ssyncadd.s32 s4;
	_ =	sdelay $0x1  }
0xa7: {  	s23 =	simm.s32 $0x1B8B  }
0xa8: {  	_ =	swait.ge [sflag:s23], $0x1  }
0xa9: {  	[sflag:s23] =	ssyncset.done $0x0  }
0xaa: {  	s25 =	simm.s32 $0x1B8E;
	s24 =	sld [smem:$0x3FFE];
	[sflag:s23] =	ssyncadd.s32 $0xFFFFFFFF  }
0xab: {  	s26 =	simm.s32 $execute0_lowered;
	[smem:$0x3FD2] =	sst s25  }
0xac: {  	s5 =	sshll.u32 s26, $0x1;
	_ =	strace $0x80000049;
	[dreg:$0x1] =	wrdreg $0xFFFFFFFF  }
0xad: {  	s28 =	simm.s32 $_size_execute0_lowered;
	s3 =	sadd.s32 s3, s5;
	[dreg:$0x0] =	wrdreg $0x0  }
0xae: {  	s5 =	sshll.u32 s28, $0x1;
	[dreg:$0x2] =	wrdreg s3  }
0xaf: {  	[dreg:$0x3] =	wrdreg s5  }
0xb0: {  	[dreg:$0x4] =	wrdreg $0xC0  }
0xb1: {  	_ =	task [dreg:s7], $0x5FFFF  }
0xb2: {  	[dreg:$0x1] =	wrdreg $0xFFFFFFFF  }
0xb3: {  	[dreg:$0x0] =	wrdreg $0x60  }
0xb4: {  	[dreg:$0x2] =	wrdreg s24  }
0xb5: {  	[dreg:$0x3] =	wrdreg s16  }
0xb6: {  	[dreg:$0x4] =	wrdreg $0xA6800  }
0xb7: {  	[dreg:$0x5] =	wrdreg $0x9  }
0xb8: {  	_ =	task.clear_ibuf [dreg:s7], $0x6FFFF;
	_ =	strace $0x90000049  }
0xb9: {  	s29 =	simm.s32 $0x9;
	_ =	strace $0x8000004B  }
0xba: {  	_ =	swait.ge [sflag:s29], $0x1  }
0xbb: {  	[sflag:s29] =	ssyncadd.s32 $0xFFFFFFFF  }
0xbc: {  	_ =	strace $0x9000004B  }
0xbd: {  	_ =	sfence  }
0xbe: {  	s30 =	sld [smem:$0x0];
	_ =	sdelay $0x2  }
0xbf: {  	s31 =	sshll.u32 s1, $0xD;
	s1 =	sshrl.u32 s1, $0x2  }
0xc0: {  	s3 =	sand.u32 $0x4000, s31;
	s1 =	sadd.s32 s1, s30  }
0xc1: {  	s0 =	sor.u32 s3, s0;
	s1 =	sshll.u32 s1, $0x11  }
0xc2: {  	s0 =	sor.u32 s1, s0  }
0xc3: {  	s0 =	sadd.s32 $0x8F2B, s0  }
0xc4: {  	[sflag:s0] =	ssyncadd.remote.s32 $0x1  }
0xc5: {  	_ =	sfence.sel $0xFFFF  }
0xc6: {  	[dreg:$0x0] =	wrdreg $0xFFFFFFFF;
	(pc) =	sbr.abs _section_cstart, $3  }
0xc7: {  	[dreg:$0x1] =	wrdreg $0xFFFFFFFF  }
0xc8: {  	_ =	task.clear_ibuf [dreg:s7], $0x2FFFF;
	_ =	strace $0x9FFFFFFF  }
0xc9: {  	(tm) =	ssettm $0x7FFFFFFF  }
tec
execute0_lowered:
.L_overlay_start_1:
0x0: {  	(tag) =	ssettag $0x1  }
0x1: {  	s5 =	rddreg [dreg:$0x0];
	s1 =	srdreg.scid  }
0x2: {  	s0 =	stileid.u32;
	s8 =	rddreg [dreg:$0x1]  }
0x3: {  	s2 =	rddreg [dreg:$0x2];
	s3 =	simm.s32 $0x0;
	s12 =	simm.s32 $0x80  }
0x4: {  	s13 =	simm.s32 $0x1;
	s6 =	sand.u32 $0x1, s1;
	s1 =	rddreg [dreg:$0x3]  }
0x5: {  	s29 =	sshll.u32 s0, $0x1;
	[smem:$0x7FF] =	sst s3;
	s10 =	smul.u32 $0xA000, s0  }
0x6: {  	s4 =	sadd.s32 $0x3000, s5;
	s15 =	smul.u32 $0xA00, s0;
	s7 =	sor.u32 s6, s29  }
0x7: {  	_ =	strace $0x8000004A;
	s11 =	ssub.s32 $0x2, s6;
	s31 =	sshll.u32 s6, $0x4  }
0x8: {  	s9 =	smul.u32 $0x5000, s7;
	s30 =	sshrl.u32 s11, $0x1;
	s10 =	sshrl.u32 s10, $0x2  }
0x9: {  	s6 =	smul.u32 $0x27100, s7;
	s14 =	sadd.s32 s8, s31;
	s11 =	ssub.s32 s11, s30  }
0xa: {  	s14 =	sadd.s32 s15, s14;
	s15 =	simm.s32 $0x100;
	s9 =	sadd.s32 s9, s5  }
0xb: {  	s5 =	sadd.s32 s10, s2;
	s8 =	smax.u32 s11, $0x1;
	s10 =	simm.s32 $0x2  }
0xc: {  	v0 =	vimm.f32 $0.0e+00;
	s11 =	simm.s32 $0x3E80;
	s7 =	sadd.s32 $0x9F0E00, s9;
	s9 =	simm.s32 $0x7E80  }
.LBB2_1:
0xd: {  	s16 =	simm.s32 $0x40;
	s17 =	simm.s32 $0x0  }
.LBB2_2:
0xe: {  	p0 =	sne.s32 s16, $0x9FC0;
	[tilespmem:s17+$0x7E80] =	vst v0;
	s17 =	smov.u32 s16;
	s16 =	sadd.s32 $0x40, s16  }
.Ltmp0:
0xf: {  	(pc) =	sbr.rel @p0 .LBB2_2-.Ltmp0, $2  }
0x10: {  	_ =	sdelay $0x2  }
0x11: {  	s17 =	sshra.s32 s17, $0x2  }
0x12: {  	[tilespmem:s17+$0x7E80] =	vst v0  }
0x13: {  	[spmem:s5] =	stream.linear.scatter [tilespmem:s9], [sflag:$0x2], $0x2800, $0x38;
	[tilespmem:$0xCE80] =	vst v63  }
0x14: {  	_ =	swait.ge [sflag:s10], $0x2800  }
0x15: {  	[sflag:s10] =	ssyncset.done $0x0  }
0x16: {  	[sflag:s10] =	ssyncadd.s32 $0xFFFFD800  }
0x17: {  	s16 =	simm.s32 $0x0;
	s17 =	simm.s32 $0x0;
	[bflag:$0x0] =	sbarrier.arrive $0xFFFF  }
.LBB2_4:
0x18: {  	s18 =	smul.u32 $0x3E80, s17;
	_ =	sdelay $0x1  }
0x19: {  	s18 =	sadd.s32 s6, s18  }
0x1a: {  	s18 =	sshrl.u32 s18, $0x3  }
0x1b: {  	s18 =	sadd.s32 s4, s18  }
0x1c: {  	[tilespmem:s16], [sflag:$0x2] =	stream.linear.gather [hbm4b:s18+s16], $0x3E80, $0x38;
	[tilespmem:$0xCE80] =	vst v63  }
0x1d: {  	_ =	swait.ge [sflag:s10], $0x3E80  }
0x1e: {  	s31 =	sshll.u32 s17, $0xB;
	[sflag:s10] =	ssyncset.done $0x0  }
0x1f: {  	s18 =	sadd.s32 s31, s7;
	[sflag:s10] =	ssyncadd.s32 $0xFFFFC180  }
0x20: {  	[tilespmem:s11], [sflag:$0x2] =	stream.linear.gather [hbm4b:s18+s16], $0x3E80, $0x38;
	[tilespmem:$0xCE80] =	vst v63  }
0x21: {  	_ =	swait.ge [sflag:s10], $0x3E80  }
0x22: {  	s19 =	simm.s32 $0x0;
	[sflag:s10] =	ssyncset.done $0x0  }
0x23: {  	s20 =	simm.s32 $0x3E80;
	s18 =	simm.s32 $0x200;
	[sflag:s10] =	ssyncadd.s32 $0xFFFFC180  }
.LBB2_5:
0x24: {  	[spmem:s2] =	stream.indirect.scatter.add.f32 [tilespmem:s19], [sflag:$0x1], $0x1, s20, s12, $0xb8;
	[tilespmem:$0xCE80] =	vst v63  }
0x25: {  	s19 =	smov.u32 s18;
	p0 =	sne.s32 s18, $0xF800  }
.Ltmp1:
0x26: {  	s18 =	sadd.s32 $0x200, s18;
	(pc) =	sbr.rel @p0 .LBB2_5-.Ltmp1, $3  }
0x27: {  	_ =	sdelay $0x1  }
0x28: {  	s19 =	sshra.s32 s19, $0x2  }
0x29: {  	s20 =	sadd.s32 $0x3E80, s19  }
0x2a: {  	s17 =	sadd.s32 $0x1, s17  }
0x2b: {  	p0 =	sne.s32 s17, $0xA  }
.Ltmp2:
0x2c: {  	_ = 	snop;
	(pc) =	sbr.rel @p0 .LBB2_4-.Ltmp2, $4  }
0x2d: {  	[spmem:s2] =	stream.indirect.scatter.add.f32 [tilespmem:s19], [sflag:$0x1], $0x1, s20, s12, $0xb8;
	[tilespmem:$0xCE80] =	vst v63  }
0x2e: {  	_ =	swait.ge [sflag:s13], $0x3E80  }
0x2f: {  	[sflag:s13] =	ssyncset.done $0x0  }
0x30: {  	[sflag:s13] =	ssyncadd.s32 $0xFFFFC180  }
0x31: {  	[bflag:$0x0] =	sbarrier.arrive $0xFFFF  }
0x32: {  	[tilespmem:s9], [sflag:$0x2] =	stream.linear.gather [spmem:s5], $0x2800, $0x38;
	[tilespmem:$0xCE80] =	vst v63  }
0x33: {  	s3 =	sadd.s32 $0x1, s3;
	_ =	swait.ge [sflag:s10], $0x2800  }
0x34: {  	p0 =	sne.s32 s3, s8;
	[sflag:s10] =	ssyncset.done $0x0  }
.Ltmp3:
0x35: {  	[sflag:s10] =	ssyncadd.s32 $0xFFFFD800;
	(pc) =	sbr.rel @p0 .LBB2_1-.Ltmp3, $4  }
0x36: {  	[hbm4b:s14+s12] =	stream.strided.scatter [tilespmem:s9], [sflag:$0x2], $0x2800, s15, s12, $0x38;
	[tilespmem:$0xCE80] =	vst v63  }
0x37: {  	_ =	swait.ge [sflag:s10], $0x2800  }
0x38: {  	[sflag:s10] =	ssyncset.done $0x0  }
0x39: {  	[sflag:s10] =	ssyncadd.s32 $0xFFFFD800  }
0x3a: {  	_ =	sfence.sel $0x180000  }
0x3b: {  	[bflag:$0x0] =	sbarrier.arrive $0xFFFF  }
0x3c: {  	p0 =	sne.s32 s0, $0x0;
	_ =	strace $0x9000004A  }
0x3d: {  	s0 =	sadd.s32 @!p0 $0x100000, s1;
	[bflag:$0x2] =	sbarrier.arrive $0xFFFF  }
0x3e: {  	[sflag:s0] =	ssyncadd.tile.s32 @!p0 $0x1;
	_ =	shalt  }
.Lfunc_end2:
_tile_overlayer_lowered:
.L_overlay_start_2:
0x3f: {  	(tag) =	ssettag $0x2  }
0x40: {  	s0 =	rddreg [dreg:$0x0];
	s2 =	stileid.u32  }
0x41: {  	s1 =	rddreg [dreg:$0x1];
	p0 =	sne.s32 s2, $0x0  }
0x42: {  	s3 =	rddreg [dreg:$0x2];
	[bflag:$0x3] =	sbarrier.arrive $0xFFFF;
	s2 =	simm.s32 @!p0 $0x1C02  }
0x43: {  	[timem:s3], [sflag:s2] =	dma.local @!p0 [hbm:s0], s1  }
0x44: {  	s0 =	simm.s32 @!p0 $0x2  }
0x45: {  	_ =	swait.ge @!p0 [sflag:s0], s1  }
0x46: {  	s1 =	ssub.s32 @!p0 $0x0, s1;
	[sflag:s0] =	ssyncset.done @!p0 $0x0  }
0x47: {  	[sflag:s0] =	ssyncadd.s32 @!p0 s1  }
0x48: {  	[bflag:$0x3] =	sbarrier.arrive $0xFFFF  }
0x49: {  	_ =	shalt  }

// kernel: kernel.7.cloned.1.call-start
scs
__scs_entry_jumppad:
0x0: {  	(pc) =	sbr.rel $0x88, $3  }
0x1: {  	(tag) =	ssettag $0x0;
	lr =	simm.s32 $0x1  }
0x2: {  	[smem:$0x3F92] =	sst lr;
	_ =	strace $0xD0000000  }
0x3: {  	_ = 	snop  }
0x4: {  	_ = 	snop  }
0x5: {  	_ = 	snop  }
0x6: {  	_ = 	snop  }
0x7: {  	_ = 	snop  }
__scs_overlays_trampoline_lowered:
0x8: {  	[smem:$0x3FA1] =	sst s0  }
0x9: {  	[smem:$0x3FA2] =	sst s1  }
0xa: {  	[smem:$0x3FA3] =	sst s2  }
0xb: {  	[smem:$0x3FA4] =	sst s3  }
0xc: {  	[smem:$0x3FA5] =	sst s4  }
0xd: {  	[smem:$0x3FA6] =	sst s5  }
0xe: {  	[smem:$0x3FA7] =	sst s6  }
0xf: {  	[smem:$0x3FA8] =	sst s7  }
0x10: {  	[smem:$0x3FA9] =	sst s8  }
0x11: {  	[smem:$0x3FAA] =	sst s9;
	s0 =	simm.s32 @!p0 $0x0  }
0x12: {  	s1 =	sld [smem:$0x3F90];
	s0 =	simm.s32 @p0 $0x1  }
0x13: {  	[smem:$0x3FAB] =	sst s0;
	s0 =	simm.s32 @!p1 $0x0  }
0x14: {  	s2 =	sld [smem:$0x3F8F];
	s0 =	simm.s32 @p1 $0x1  }
0x15: {  	[smem:$0x3FAC] =	sst s0;
	s0 =	simm.s32 @!p2 $0x0  }
0x16: {  	s3 =	sld [smem:$0x3FDB];
	s0 =	simm.s32 @p2 $0x1  }
0x17: {  	s4 =	simm.s32 $0x1BF5;
	[smem:$0x3FAE] =	sst s0  }
0x18: {  	s0 =	sld [smem:$0x3F91];
	_ =	swait.ge [sflag:s4], $0x0  }
0x19: {  	s7 =	sld [smem:$0x3F92]  }
0x1a: {  	s8 =	sadd.s32 $0xFFFFE003, lr  }
0x1b: {  	s9 =	sadd.s32 $0xFFFFFEF7, lr;
	s5 =	simm.s32 $0xFFFFFFFF;
	p2 =	slt.u32 s8, $0xFFFFF086  }
0x1c: {  	p1 =	slt.u32 s9, $0xF7A;
	s5 =	simm.s32 @!p2 $0x0  }
0x1d: {  	s5 =	simm.s32 @p1 $0x1;
	p0 =	seq.s32 s7, s2  }
0x1e: {  	s7 =	smul.u32 @!p0 $0xF7A, s2;
	p2 =	seq.s32 @!p0 s5, $0x0  }
0x1f: {  	s9 =	smul.u32 $0xF7A, s1;
	s8 =	simm.s32 @!p0 $0x1BF5;
	p2 =	por !p2, p0  }
0x20: {  	[sflag:s8] =	ssyncset.s32 @!p0 $0xFFFFF086;
	s6 =	sadd.s32 @!p0 s3, s7;
	s7 =	simm.s32 @!p0 $0x108  }
0x21: {  	s3 =	sadd.s32 s3, s9;
	s6 =	sadd.s32 @!p0 $0x88, s6;
	s7 =	simm.s32 @p2 $0x1082  }
0x22: {  	[simem:s7], [sflag:s8] =	dma.local @!p0 [hbm:s6], $0xF7A  }
0x23: {  	s9 =	sor.u32 $0xD0000000, s2;
	s6 =	simm.s32 $0x108;
	_ =	swait.ge @!p0 [sflag:s8], $0x0  }
0x24: {  	s3 =	sadd.s32 $0x88, s3;
	s6 =	simm.s32 @!p1 $0x1082;
	[sflag:s4] =	ssyncset.s32 $0xFFFFF086  }
0x25: {  	[simem:s6], [sflag:s4] =	dma.local [hbm:s3], $0xF7A  }
0x26: {  	[smem:$0x3F92] =	sst s1;
	(tag) =	ssettag s2;
	_ =	strace s9  }
0x27: {  	s1 =	sld [smem:$0x3FA2]  }
0x28: {  	s2 =	sld [smem:$0x3FA3]  }
0x29: {  	s4 =	sld [smem:$0x3FA5]  }
0x2a: {  	p0 =	seq.s32 s5, $0x0;
	s5 =	sld [smem:$0x3FA6]  }
0x2b: {  	s6 =	sld [smem:$0x3FA7]  }
0x2c: {  	s7 =	sld [smem:$0x3FA8]  }
0x2d: {  	s3 =	simm.s32 $0x108;
	s8 =	sld [smem:$0x3FA9]  }
0x2e: {  	s3 =	simm.s32 @!p0 $0x1082;
	s9 =	sld [smem:$0x3FAA]  }
0x2f: {  	lr =	sadd.s32 s0, s3;
	s0 =	sld [smem:$0x3FA1]  }
0x30: {  	s3 =	sld [smem:$0x3FA4]  }
0x31: {  	[smem:$0x3FAD] =	sst s10  }
0x32: {  	s10 =	sld [smem:$0x3FAB];
	_ =	sdelay $0x3  }
0x33: {  	p0 =	seq.s32 s10, $0x1;
	s10 =	sld [smem:$0x3FAD];
	_ =	sdelay $0x3  }
0x34: {  	[smem:$0x3FAD] =	sst s10  }
0x35: {  	s10 =	sld [smem:$0x3FAC];
	_ =	sdelay $0x3  }
0x36: {  	p1 =	seq.s32 s10, $0x1;
	s10 =	sld [smem:$0x3FAD];
	_ =	sdelay $0x3  }
0x37: {  	[smem:$0x3FAD] =	sst s10  }
0x38: {  	s10 =	sld [smem:$0x3FAE]  }
0x39: {  	_ = 	snop;
	(pc) =	sbr.ind lr, $3  }
0x3a: {  	_ = 	snop  }
0x3b: {  	_ = 	snop  }
0x3c: {  	p2 =	seq.s32 s10, $0x1;
	s10 =	sld [smem:$0x3FAD]  }
0x3d: {  	_ =	shalt  }
0x3e: {  	_ =	shalt  }
0x3f: {  	_ =	shalt  }
0x40: {  	_ =	shalt  }
0x41: {  	_ =	shalt  }
0x42: {  	_ =	shalt  }
0x43: {  	_ =	shalt  }
0x44: {  	_ =	shalt  }
0x45: {  	_ =	shalt  }
0x46: {  	_ =	shalt  }
0x47: {  	_ =	shalt  }
0x48: {  	_ =	shalt  }
0x49: {  	_ =	shalt  }
0x4a: {  	_ =	shalt  }
0x4b: {  	_ =	shalt  }
0x4c: {  	_ =	shalt  }
0x4d: {  	_ =	shalt  }
0x4e: {  	_ =	shalt  }
0x4f: {  	_ =	shalt  }
0x50: {  	_ =	shalt  }
0x51: {  	_ =	shalt  }
0x52: {  	_ =	shalt  }
0x53: {  	_ =	shalt  }
0x54: {  	_ =	shalt  }
0x55: {  	_ =	shalt  }
0x56: {  	_ =	shalt  }
0x57: {  	_ =	shalt  }
0x58: {  	_ =	shalt  }
0x59: {  	_ =	shalt  }
0x5a: {  	_ =	shalt  }
0x5b: {  	_ =	shalt  }
0x5c: {  	_ =	shalt  }
0x5d: {  	_ =	shalt  }
0x5e: {  	_ =	shalt  }
0x5f: {  	_ =	shalt  }
0x60: {  	_ =	shalt  }
0x61: {  	_ =	shalt  }
0x62: {  	_ =	shalt  }
0x63: {  	_ =	shalt  }
0x64: {  	_ =	shalt  }
0x65: {  	_ =	shalt  }
0x66: {  	_ =	shalt  }
0x67: {  	_ =	shalt  }
0x68: {  	_ =	shalt  }
0x69: {  	_ =	shalt  }
0x6a: {  	_ =	shalt  }
0x6b: {  	_ =	shalt  }
0x6c: {  	_ =	shalt  }
0x6d: {  	_ =	shalt  }
0x6e: {  	_ =	shalt  }
0x6f: {  	_ =	shalt  }
0x70: {  	_ =	shalt  }
0x71: {  	_ =	shalt  }
0x72: {  	_ =	shalt  }
0x73: {  	_ =	shalt  }
0x74: {  	_ =	shalt  }
0x75: {  	_ =	shalt  }
0x76: {  	_ =	shalt  }
0x77: {  	_ =	shalt  }
0x78: {  	_ =	shalt  }
0x79: {  	_ =	shalt  }
0x7a: {  	_ =	shalt  }
0x7b: {  	_ =	shalt  }
0x7c: {  	_ =	shalt  }
0x7d: {  	_ =	shalt  }
0x7e: {  	_ =	shalt  }
0x7f: {  	_ =	shalt  }
0x80: {  	_ =	shalt  }
0x81: {  	_ =	shalt  }
0x82: {  	_ =	shalt  }
0x83: {  	_ =	shalt  }
0x84: {  	_ =	shalt  }
0x85: {  	_ =	shalt  }
0x86: {  	_ =	shalt  }
0x87: {  	_ =	shalt  }
.Lfunc_end0:
.L_simem_size_0:
called_computation_lowered:
.L_overlay_start_0:
0x88: {  	s2 =	sld [smem:$0x3FD9]  }
0x89: {  	s3 =	sld [smem:$0x3FFE];
	_ =	sdelay $0x1  }
0x8a: {  	s1 =	srdreg.scid  }
0x8b: {  	s0 =	sand.u32 $0x1, s1  }
0x8c: {  	s14 =	sshll.u32 s0, $0xA;
	s2 =	sadd.s32 s3, s2  }
0x8d: {  	s2 =	sadd.s32 s2, s14  }
0x8e: {  	[smem:$0x3FB9] =	sst s2  }
0x8f: {  	_ = 	snop  }
0x90: {  	s2 =	sld [smem:$0x3FD0];
	_ =	sdelay $0x2  }
0x91: {  	s15 =	simm.s32 $0xA;
	s4 =	simm.s32 $0x10  }
0x92: {  	[smem:s4], [sflag:s15] =	dma.local [hbm:s2], $0x1  }
0x93: {  	_ =	swait.eq [sflag:s15], $0x1  }
0x94: {  	[sflag:s15] =	ssyncset.done $0x0  }
0x95: {  	s16 =	sld [smem:$0x10];
	[sflag:s15] =	ssyncadd.s32 $0xFFFFFFFF  }
0x96: {  	s17 =	sld [smem:$0x11];
	(tm) =	ssettm $0x1  }
0x97: {  	s18 =	sld [smem:$0x3FFB];
	_ =	sdelay $0x3  }
0x98: {  	_ =	strace s18  }
0x99: {  	s4 =	sld [smem:$0x3FFC];
	_ =	sdelay $0x3  }
0x9a: {  	_ =	strace s4  }
0x9b: {  	s4 =	sld [smem:$0x3FFD];
	_ =	sdelay $0x3  }
0x9c: {  	_ =	strace s4  }
0x9d: {  	_ =	strace $0x8FFFFFFF  }
0x9e: {  	s19 =	sld [smem:$0x3FDB];
	_ =	sdelay $0x1  }
0x9f: {  	s5 =	simm.s32 $_scs_section_size  }
0xa0: {  	s6 =	simm.s32 $_size__tile_overlayer_lowered;
	s7 =	simm.s32 $_tile_overlayer_lowered  }
0xa1: {  	s22 =	simm.s32 $0x1BFF;
	s21 =	sshll.u32 s7, $0x1;
	s4 =	sadd.s32 s5, s19  }
0xa2: {  	s8 =	simm.s32 $0x0;
	s20 =	sshll.u32 s6, $0x1;
	s6 =	sadd.s32 s21, s4  }
0xa3: {  	[timem:s8], [sflag:s22] =	dma.local [hbm:s6], s20  }
0xa4: {  	_ =	swait.ge [sflag:s22], s20  }
0xa5: {  	s5 =	ssub.s32 $0x0, s20;
	[sflag:s22] =	ssyncset.done $0x0  }
0xa6: {  	[sflag:s22] =	ssyncadd.s32 s5;
	_ =	sdelay $0x1  }
0xa7: {  	s23 =	simm.s32 $0x1B8B  }
0xa8: {  	_ =	swait.ge [sflag:s23], $0x1  }
0xa9: {  	[sflag:s23] =	ssyncset.done $0x0  }
0xaa: {  	s25 =	simm.s32 $0x1B8E;
	s24 =	sld [smem:$0x3FFE];
	[sflag:s23] =	ssyncadd.s32 $0xFFFFFFFF  }
0xab: {  	s26 =	simm.s32 $execute0_lowered;
	[smem:$0x3FD2] =	sst s25  }
0xac: {  	s6 =	sshll.u32 s26, $0x1;
	_ =	strace $0x80000046;
	[dreg:$0x1] =	wrdreg $0xFFFFFFFF  }
0xad: {  	s28 =	simm.s32 $_size_execute0_lowered;
	s4 =	sadd.s32 s4, s6;
	[dreg:$0x0] =	wrdreg $0x0  }
0xae: {  	s6 =	sshll.u32 s28, $0x1;
	[dreg:$0x2] =	wrdreg s4  }
0xaf: {  	[dreg:$0x3] =	wrdreg s6  }
0xb0: {  	[dreg:$0x4] =	wrdreg $0xC0  }
0xb1: {  	_ =	task [dreg:s8], $0x5FFFF  }
0xb2: {  	[dreg:$0x1] =	wrdreg $0xFFFFFFFF  }
0xb3: {  	[dreg:$0x0] =	wrdreg $0x60  }
0xb4: {  	[dreg:$0x2] =	wrdreg s16  }
0xb5: {  	[dreg:$0x3] =	wrdreg s17  }
0xb6: {  	[dreg:$0x4] =	wrdreg s24  }
0xb7: {  	[dreg:$0x5] =	wrdreg $0x9  }
0xb8: {  	_ =	task.clear_ibuf [dreg:s8], $0x6FFFF;
	_ =	strace $0x90000046  }
0xb9: {  	s29 =	simm.s32 $0x9;
	_ =	strace $0x80000048  }
0xba: {  	_ =	swait.ge [sflag:s29], $0x1  }
0xbb: {  	[sflag:s29] =	ssyncadd.s32 $0xFFFFFFFF  }
0xbc: {  	_ =	strace $0x90000048  }
0xbd: {  	_ =	sfence  }
0xbe: {  	s30 =	sld [smem:$0x0];
	_ =	sdelay $0x2  }
0xbf: {  	s31 =	sshll.u32 s1, $0xD;
	s1 =	sshrl.u32 s1, $0x2  }
0xc0: {  	s3 =	sand.u32 $0x4000, s31;
	s1 =	sadd.s32 s1, s30  }
0xc1: {  	s0 =	sor.u32 s3, s0;
	s1 =	sshll.u32 s1, $0x11  }
0xc2: {  	s0 =	sor.u32 s1, s0  }
0xc3: {  	s0 =	sadd.s32 $0x8F2B, s0  }
0xc4: {  	[sflag:s0] =	ssyncadd.remote.s32 $0x1  }
0xc5: {  	_ =	sfence.sel $0xFFFF  }
0xc6: {  	[dreg:$0x0] =	wrdreg $0xFFFFFFFF;
	(pc) =	sbr.abs _section_cstart, $3  }
0xc7: {  	[dreg:$0x1] =	wrdreg $0xFFFFFFFF  }
0xc8: {  	_ =	task.clear_ibuf [dreg:s8], $0x2FFFF;
	_ =	strace $0x9FFFFFFF  }
0xc9: {  	(tm) =	ssettm $0x7FFFFFFF  }
tec
execute0_lowered:
.L_overlay_start_1:
0x0: {  	(tag) =	ssettag $0x1  }
0x1: {  	s1 =	rddreg [dreg:$0x0]  }
0x2: {  	s0 =	rddreg [dreg:$0x1]  }
0x3: {  	s2 =	rddreg [dreg:$0x2];
	s4 =	srdreg.scid  }
0x4: {  	s5 =	stileid.u32;
	s3 =	simm.s32 $0x0;
	s10 =	simm.s32 $0x7  }
0x5: {  	s11 =	simm.s32 $0x8000;
	s12 =	simm.s32 $0x28;
	s14 =	simm.s32 $0x12800  }
0x6: {  	s15 =	simm.s32 $0x80;
	s16 =	simm.s32 $0x11400;
	s17 =	simm.s32 $0x8080  }
0x7: {  	s18 =	simm.s32 $0x13C00;
	s19 =	simm.s32 $0x1;
	s20 =	simm.s32 $0x3  }
0x8: {  	s21 =	simm.s32 $0x15000;
	s22 =	simm.s32 $0x2;
	s23 =	simm.s32 $0x4  }
0x9: {  	s24 =	simm.s32 $0x16400;
	s25 =	simm.s32 $0x5;
	s26 =	simm.s32 $0x6  }
0xa: {  	s28 =	simm.s32 $0x0;
	s4 =	sand.u32 $0x1, s4;
	s5 =	sshll.u32 s5, $0x1  }
.Ltmp0:
0xb: {  	[smem:$0x7FF] =	sst s3;
	s5 =	sor.u32 s4, s5;
	(pc) =	sbr.rel .LBB2_1-.Ltmp0, $4  }
0xc: {  	_ =	strace $0x80000047;
	s7 =	ssub.s32 $0x2, s4;
	s6 =	sshll.u32 s5, $0xC  }
0xd: {  	s9 =	sshrl.u32 s7, $0x1;
	s4 =	smul.u32 $0x2710, s5;
	s5 =	sadd.s32 $0x2CE00, s2  }
0xe: {  	s8 =	sadd.s32 s6, s2;
	s31 =	ssub.s32 s7, s9;
	s6 =	sadd.s32 s0, s6  }
0xf: {  	s7 =	sadd.s32 $0xCE00, s8;
	s8 =	sadd.s32 $0x28, s4;
	s9 =	smax.u32 s31, $0x1  }
.LBB2_8:
0x10: {  	s28 =	sadd.s32 $0x1, s28  }
0x11: {  	_ =	swait.ge [sflag:s25], $0x1400;
	p0 =	sne.s32 s28, s9  }
.Ltmp1:
0x12: {  	[sflag:s25] =	ssyncset.done $0x0;
	(pc) =	sbr.rel @!p0 .LBB2_9-.Ltmp1, $4  }
0x13: {  	[sflag:s25] =	ssyncadd.s32 $0xFFFFEC00  }
0x14: {  	_ =	swait.ge [sflag:s26], $0x1400  }
0x15: {  	[sflag:s26] =	ssyncset.done $0x0  }
0x16: {  	[sflag:s26] =	ssyncadd.s32 $0xFFFFEC00  }
.LBB2_1:
0x17: {  	[tilespmem:s3], [sflag:$0x7] =	stream.linear.gather [hbm4b:s6+s3], $0x7D00, $0x38;
	[tilespmem:$0x17800] =	vst v63  }
0x18: {  	_ =	swait.ge [sflag:s10], $0x7D00  }
0x19: {  	[sflag:s10] =	ssyncset.done $0x0  }
0x1a: {  	[sflag:s10] =	ssyncadd.s32 $0xFFFF8300  }
0x1b: {  	[tilespmem:s11], [sflag:$0x7] =	stream.linear.gather [hbm4b:s7+s3], $0x7D00, $0x38;
	[tilespmem:$0x17800] =	vst v63  }
0x1c: {  	_ =	swait.ge [sflag:s10], $0x7D00  }
0x1d: {  	[sflag:s10] =	ssyncset.done $0x0  }
0x1e: {  	s0 =	simm.s32 $0x10000;
	[sflag:s10] =	ssyncadd.s32 $0xFFFF8300  }
0x1f: {  	[tilespmem:s0], [sflag:$0x1] =	stream.indirect.gather [hbm4b:s1+s12], $0x80, s3, s12, $0xb8;
	[tilespmem:$0x17800] =	vst v63  }
0x20: {  	_ = 	snop  }
0x21: {  	[tilespmem:s14], [sflag:$0x3] =	stream.indirect.gather [hbm4b:s1+s12], $0x80, s11, s12, $0xb8;
	[tilespmem:$0x17800] =	vst v63  }
0x22: {  	_ = 	snop  }
0x23: {  	[tilespmem:s16], [sflag:$0x2] =	stream.indirect.gather [hbm4b:s1+s12], $0x80, s15, s12, $0xb8;
	[tilespmem:$0x17800] =	vst v63  }
0x24: {  	s29 =	simm.s32 $0x0  }
0x25: {  	[tilespmem:s18], [sflag:$0x4] =	stream.indirect.gather [hbm4b:s1+s12], $0x80, s17, s12, $0xb8;
	[tilespmem:$0x17800] =	vst v63  }
.LBB2_2:
0x26: {  	_ =	swait.ge [sflag:s19], $0x1400  }
0x27: {  	[sflag:s19] =	ssyncset.done $0x0  }
0x28: {  	[sflag:s19] =	ssyncadd.s32 $0xFFFFEC00  }
0x29: {  	_ =	swait.ge [sflag:s20], $0x1400  }
0x2a: {  	p0 =	seq.s32 s29, $0x0;
	[sflag:s20] =	ssyncset.done $0x0  }
0x2b: {  	s0 =	simm.s32 @!p0 $0x5;
	[sflag:s20] =	ssyncadd.s32 $0xFFFFEC00  }
0x2c: {  	_ =	swait.ge @!p0 [sflag:s0], $0x1400  }
0x2d: {  	[sflag:s0] =	ssyncset.done @!p0 $0x0  }
0x2e: {  	s31 =	simm.s32 $0x0;
	[sflag:s0] =	ssyncadd.s32 @!p0 $0xFFFFEC00  }
0x2f: {  	v0 =	vld [tilespmem:s31+$0x100B0]  }
0x30: {  	v1 =	vld [tilespmem:s31+$0x128F0]  }
0x31: {  	v2 =	vld [tilespmem:s31+$0x10000]  }
0x32: {  	v3 =	vld [tilespmem:s31+$0x12840]  }
0x33: {  	v4 =	vld [tilespmem:s31+$0x10010]  }
0x34: {  	v5 =	vld [tilespmem:s31+$0x12850]  }
0x35: {  	v6 =	vld [tilespmem:s31+$0x10020]  }
0x36: {  	v7 =	vld [tilespmem:s31+$0x10030]  }
0x37: {  	v0 =	vadd.f32 v1, v0;
	v1 =	vld [tilespmem:s31+$0x12860]  }
0x38: {  	v8 =	vld [tilespmem:s31+$0x12870]  }
0x39: {  	v9 =	vld [tilespmem:s31+$0x128C0];
	v2 =	vadd.f32 v3, v2  }
0x3a: {  	[tilespmem:s31+$0x150B0] =	vst v0;
	v0 =	vadd.f32 v5, v4;
	v5 =	vld [tilespmem:s31+$0x10080]  }
0x3b: {  	v3 =	vld [tilespmem:s31+$0x128D0];
	[tilespmem:s31+$0x15000] =	vst v2  }
0x3c: {  	v2 =	vld [tilespmem:s31+$0x10090];
	[tilespmem:s31+$0x15010] =	vst v0;
	v0 =	vadd.f32 v1, v6  }
0x3d: {  	v4 =	vld [tilespmem:s31+$0x128E0];
	v6 =	vadd.f32 v8, v7  }
0x3e: {  	s0 =	simm.s32 $0x100;
	[tilespmem:s31+$0x15020] =	vst v0;
	v0 =	vld [tilespmem:s31+$0x100A0]  }
0x3f: {  	s30 =	sshll.u32 s29, $0x8;
	s2 =	simm.s32 $0x800;
	v5 =	vadd.f32 v9, v5;
	v1 =	vld [tilespmem:s0+$0x100B0];
	[tilespmem:s31+$0x15030] =	vst v6  }
.LBB2_3:
0x40: {  	p1 =	sne.s32 s2, $0x4C00;
	v6 =	vld [tilespmem:s0+$0x128F0]  }
0x41: {  	v7 =	vld [tilespmem:s0+$0x10000];
	[tilespmem:s31+$0x15080] =	vst v5;
	v2 =	vadd.f32 v3, v2  }
0x42: {  	v3 =	vld [tilespmem:s0+$0x12840]  }
0x43: {  	v5 =	vld [tilespmem:s0+$0x10010];
	[tilespmem:s31+$0x15090] =	vst v2;
	v0 =	vadd.f32 v4, v0  }
0x44: {  	v2 =	vld [tilespmem:s0+$0x12850]  }
0x45: {  	v4 =	vld [tilespmem:s0+$0x10020];
	v1 =	vadd.f32 v6, v1;
	[tilespmem:s31+$0x150A0] =	vst v0;
	s31 =	smov.u32 s0  }
0x46: {  	v0 =	vld [tilespmem:s31+$0x12860]  }
0x47: {  	v3 =	vadd.f32 v3, v7;
	v6 =	vld [tilespmem:s31+$0x10030];
	[tilespmem:s31+$0x150B0] =	vst v1  }
0x48: {  	v1 =	vld [tilespmem:s31+$0x12870]  }
0x49: {  	[tilespmem:s31+$0x15000] =	vst v3;
	v2 =	vadd.f32 v2, v5;
	v5 =	vld [tilespmem:s31+$0x10080]  }
0x4a: {  	v7 =	vld [tilespmem:s31+$0x128C0]  }
.Ltmp2:
0x4b: {  	[tilespmem:s31+$0x15010] =	vst v2;
	v0 =	vadd.f32 v0, v4;
	v2 =	vld [tilespmem:s31+$0x10090];
	(pc) =	sbr.rel @p1 .LBB2_3-.Ltmp2, $4  }
0x4c: {  	v3 =	vld [tilespmem:s31+$0x128D0]  }
0x4d: {  	[tilespmem:s31+$0x15020] =	vst v0;
	v6 =	vadd.f32 v1, v6;
	v0 =	vld [tilespmem:s31+$0x100A0]  }
0x4e: {  	s0 =	sshra.s32 s2, $0x2;
	v4 =	vld [tilespmem:s31+$0x128E0]  }
0x4f: {  	s2 =	sadd.s32 $0x400, s2;
	v1 =	vld [tilespmem:s0+$0x100B0];
	[tilespmem:s31+$0x15030] =	vst v6;
	v5 =	vadd.f32 v7, v5  }
0x50: {  	v6 =	vld [tilespmem:s0+$0x128F0]  }
0x51: {  	v7 =	vld [tilespmem:s0+$0x10000];
	[tilespmem:s31+$0x15080] =	vst v5;
	v2 =	vadd.f32 v3, v2  }
0x52: {  	v3 =	vld [tilespmem:s0+$0x12840]  }
0x53: {  	v5 =	vld [tilespmem:s0+$0x10010];
	[tilespmem:s31+$0x15090] =	vst v2;
	v0 =	vadd.f32 v4, v0  }
0x54: {  	v2 =	vld [tilespmem:s0+$0x12850]  }
0x55: {  	v4 =	vld [tilespmem:s0+$0x10020];
	[tilespmem:s31+$0x150A0] =	vst v0  }
0x56: {  	v0 =	vadd.f32 v6, v1;
	v1 =	vld [tilespmem:s0+$0x12860]  }
0x57: {  	v6 =	vld [tilespmem:s0+$0x10030]  }
0x58: {  	v3 =	vadd.f32 v3, v7;
	[tilespmem:s0+$0x150B0] =	vst v0;
	v0 =	vld [tilespmem:s0+$0x12870]  }
0x59: {  	v7 =	vld [tilespmem:s0+$0x128E0]  }
0x5a: {  	[tilespmem:s0+$0x15000] =	vst v3;
	v2 =	vadd.f32 v2, v5;
	v3 =	vld [tilespmem:s0+$0x10080]  }
0x5b: {  	v5 =	vld [tilespmem:s0+$0x128C0]  }
0x5c: {  	[tilespmem:s0+$0x15010] =	vst v2;
	v1 =	vadd.f32 v1, v4;
	v2 =	vld [tilespmem:s0+$0x10090]  }
0x5d: {  	v4 =	vld [tilespmem:s0+$0x128D0]  }
0x5e: {  	[tilespmem:s0+$0x15020] =	vst v1;
	v1 =	vld [tilespmem:s0+$0x100A0];
	_ =	sdelay $0x1  }
0x5f: {  	v0 =	vadd.f32 v0, v6  }
0x60: {  	s31 =	smul.u32 $0x50, s29;
	v3 =	vadd.f32 v5, v3  }
0x61: {  	[tilespmem:s0+$0x15030] =	vst v0;
	v0 =	vadd.f32 v4, v2  }
0x62: {  	s2 =	sadd.s32 s4, s31;
	[tilespmem:s0+$0x15080] =	vst v3;
	v1 =	vadd.f32 v7, v1  }
0x63: {  	s2 =	sshll.u32 s2, $0x4;
	[tilespmem:s0+$0x15090] =	vst v0  }
0x64: {  	p1 =	seq.s32 s29, $0x7C;
	s13 =	sadd.s32 s5, s2;
	[tilespmem:s0+$0x150A0] =	vst v1  }
0x65: {  	[hbm4b:s13+s3] =	stream.linear.scatter [tilespmem:s21], [sflag:$0x5], $0x1400, $0x38;
	[tilespmem:$0x17800] =	vst v63  }
0x66: {  	s2 =	simm.s32 @!p1 $0x28;
	s0 =	sadd.s32 @!p1 $0x100, s30;
	s13 =	simm.s32 @!p1 $0x10000  }
0x67: {  	[tilespmem:s13], [sflag:$0x1] =	stream.indirect.gather @!p1 [hbm4b:s1+s2], $0x80, s0, s2, $0xb8;
	[tilespmem:$0x17800] =	vst v63  }
0x68: {  	s0 =	sadd.s32 @!p1 $0x8100, s30;
	s13 =	simm.s32 @!p1 $0x12800  }
0x69: {  	[tilespmem:s13], [sflag:$0x3] =	stream.indirect.gather @!p1 [hbm4b:s1+s2], $0x80, s0, s2, $0xb8;
	[tilespmem:$0x17800] =	vst v63  }
0x6a: {  	_ =	swait.ge [sflag:s22], $0x1400  }
0x6b: {  	[sflag:s22] =	ssyncset.done $0x0  }
0x6c: {  	[sflag:s22] =	ssyncadd.s32 $0xFFFFEC00  }
0x6d: {  	_ =	swait.ge [sflag:s23], $0x1400  }
0x6e: {  	[sflag:s23] =	ssyncset.done $0x0  }
0x6f: {  	s0 =	simm.s32 @!p0 $0x6;
	[sflag:s23] =	ssyncadd.s32 $0xFFFFEC00  }
0x70: {  	_ =	swait.ge @!p0 [sflag:s0], $0x1400  }
0x71: {  	[sflag:s0] =	ssyncset.done @!p0 $0x0  }
0x72: {  	[sflag:s0] =	ssyncadd.s32 @!p0 $0xFFFFEC00;
	s0 =	simm.s32 $0x0  }
0x73: {  	v0 =	vld [tilespmem:s0+$0x114B0]  }
0x74: {  	v1 =	vld [tilespmem:s0+$0x13CF0]  }
0x75: {  	v2 =	vld [tilespmem:s0+$0x11400]  }
0x76: {  	v3 =	vld [tilespmem:s0+$0x13C40]  }
0x77: {  	v4 =	vld [tilespmem:s0+$0x11410]  }
0x78: {  	v5 =	vld [tilespmem:s0+$0x13C50]  }
0x79: {  	v6 =	vld [tilespmem:s0+$0x11420]  }
0x7a: {  	v7 =	vld [tilespmem:s0+$0x11430]  }
0x7b: {  	v0 =	vadd.f32 v1, v0;
	v1 =	vld [tilespmem:s0+$0x13C60]  }
0x7c: {  	v8 =	vld [tilespmem:s0+$0x13C70]  }
0x7d: {  	v9 =	vld [tilespmem:s0+$0x13CC0];
	v2 =	vadd.f32 v3, v2  }
0x7e: {  	[tilespmem:s0+$0x164B0] =	vst v0;
	v0 =	vadd.f32 v5, v4;
	v5 =	vld [tilespmem:s0+$0x11480]  }
0x7f: {  	v3 =	vld [tilespmem:s0+$0x13CD0];
	[tilespmem:s0+$0x16400] =	vst v2  }
0x80: {  	v2 =	vld [tilespmem:s0+$0x11490];
	[tilespmem:s0+$0x16410] =	vst v0;
	v0 =	vadd.f32 v1, v6  }
0x81: {  	v4 =	vld [tilespmem:s0+$0x13CE0];
	v6 =	vadd.f32 v8, v7  }
0x82: {  	s2 =	simm.s32 $0x100;
	[tilespmem:s0+$0x16420] =	vst v0;
	v0 =	vld [tilespmem:s0+$0x114A0]  }
0x83: {  	s13 =	simm.s32 $0x800;
	v5 =	vadd.f32 v9, v5;
	v1 =	vld [tilespmem:s2+$0x114B0];
	[tilespmem:s0+$0x16430] =	vst v6  }
.LBB2_5:
0x84: {  	p0 =	sne.s32 s13, $0x4C00;
	v6 =	vld [tilespmem:s2+$0x13CF0]  }
0x85: {  	v7 =	vld [tilespmem:s2+$0x11400];
	[tilespmem:s0+$0x16480] =	vst v5;
	v2 =	vadd.f32 v3, v2  }
0x86: {  	v3 =	vld [tilespmem:s2+$0x13C40]  }
0x87: {  	v5 =	vld [tilespmem:s2+$0x11410];
	[tilespmem:s0+$0x16490] =	vst v2;
	v0 =	vadd.f32 v4, v0  }
0x88: {  	v2 =	vld [tilespmem:s2+$0x13C50]  }
0x89: {  	v4 =	vld [tilespmem:s2+$0x11420];
	v1 =	vadd.f32 v6, v1;
	[tilespmem:s0+$0x164A0] =	vst v0;
	s0 =	smov.u32 s2  }
0x8a: {  	v0 =	vld [tilespmem:s0+$0x13C60]  }
0x8b: {  	v3 =	vadd.f32 v3, v7;
	v6 =	vld [tilespmem:s0+$0x11430];
	[tilespmem:s0+$0x164B0] =	vst v1  }
0x8c: {  	v1 =	vld [tilespmem:s0+$0x13C70]  }
0x8d: {  	[tilespmem:s0+$0x16400] =	vst v3;
	v2 =	vadd.f32 v2, v5;
	v5 =	vld [tilespmem:s0+$0x11480]  }
0x8e: {  	v7 =	vld [tilespmem:s0+$0x13CC0]  }
.Ltmp3:
0x8f: {  	[tilespmem:s0+$0x16410] =	vst v2;
	v0 =	vadd.f32 v0, v4;
	v2 =	vld [tilespmem:s0+$0x11490];
	(pc) =	sbr.rel @p0 .LBB2_5-.Ltmp3, $4  }
0x90: {  	v3 =	vld [tilespmem:s0+$0x13CD0]  }
0x91: {  	[tilespmem:s0+$0x16420] =	vst v0;
	v6 =	vadd.f32 v1, v6;
	v0 =	vld [tilespmem:s0+$0x114A0]  }
0x92: {  	s2 =	sshra.s32 s13, $0x2;
	v4 =	vld [tilespmem:s0+$0x13CE0]  }
0x93: {  	s13 =	sadd.s32 $0x400, s13;
	v1 =	vld [tilespmem:s2+$0x114B0];
	[tilespmem:s0+$0x16430] =	vst v6;
	v5 =	vadd.f32 v7, v5  }
0x94: {  	v6 =	vld [tilespmem:s2+$0x13CF0]  }
0x95: {  	v7 =	vld [tilespmem:s2+$0x11400];
	[tilespmem:s0+$0x16480] =	vst v5;
	v2 =	vadd.f32 v3, v2  }
0x96: {  	v51 =	vld [tilespmem:s2+$0x13C40]  }
0x97: {  	v5 =	vld [tilespmem:s2+$0x11410];
	[tilespmem:s0+$0x16490] =	vst v2;
	v0 =	vadd.f32 v4, v0  }
0x98: {  	v2 =	vld [tilespmem:s2+$0x13C50]  }
0x99: {  	v52 =	vld [tilespmem:s2+$0x11420];
	[tilespmem:s0+$0x164A0] =	vst v0  }
0x9a: {  	v54 =	vld [tilespmem:s2+$0x13C60]  }
0x9b: {  	v55 =	vld [tilespmem:s2+$0x11430]  }
0x9c: {  	v56 =	vld [tilespmem:s2+$0x13C70]  }
0x9d: {  	v57 =	vld [tilespmem:s2+$0x11480]  }
0x9e: {  	v58 =	vld [tilespmem:s2+$0x13CC0]  }
0x9f: {  	v59 =	vld [tilespmem:s2+$0x11490]  }
0xa0: {  	v53 =	vadd.f32 v6, v1;
	v60 =	vld [tilespmem:s2+$0x13CD0]  }
0xa1: {  	v61 =	vld [tilespmem:s2+$0x114A0];
	v3 =	vadd.f32 v51, v7  }
0xa2: {  	v62 =	vld [tilespmem:s2+$0x13CE0];
	[tilespmem:s2+$0x164B0] =	vst v53;
	v2 =	vadd.f32 v2, v5  }
0xa3: {  	[tilespmem:s2+$0x16400] =	vst v3;
	v1 =	vadd.f32 v54, v52  }
0xa4: {  	[tilespmem:s2+$0x16410] =	vst v2;
	v0 =	vadd.f32 v56, v55  }
0xa5: {  	v3 =	vadd.f32 v58, v57;
	[tilespmem:s2+$0x16420] =	vst v1  }
.Ltmp4:
0xa6: {  	v63 =	vadd.f32 v60, v59;
	[tilespmem:s2+$0x16430] =	vst v0;
	(pc) =	sbr.rel @p1 .LBB2_8-.Ltmp4, $4  }
0xa7: {  	s31 =	sadd.s32 s8, s31;
	[tilespmem:s2+$0x16480] =	vst v3;
	v1 =	vadd.f32 v62, v61  }
0xa8: {  	s0 =	sshll.u32 s31, $0x4;
	[tilespmem:s2+$0x16490] =	vst v63  }
0xa9: {  	s0 =	sadd.s32 s5, s0;
	[tilespmem:s2+$0x164A0] =	vst v1  }
0xaa: {  	[hbm4b:s0+s3] =	stream.linear.scatter [tilespmem:s24], [sflag:$0x6], $0x1400, $0x38;
	[tilespmem:$0x17800] =	vst v63  }
.Ltmp5:
0xab: {  	(pc) =	sbr.rel .LBB2_2-.Ltmp5, $4  }
0xac: {  	s0 =	sadd.s32 $0x180, s30  }
0xad: {  	[tilespmem:s16], [sflag:$0x2] =	stream.indirect.gather [hbm4b:s1+s12], $0x80, s0, s12, $0xb8;
	[tilespmem:$0x17800] =	vst v63  }
0xae: {  	s31 =	sadd.s32 $0x8180, s30;
	s29 =	sadd.s32 $0x1, s29  }
0xaf: {  	[tilespmem:s18], [sflag:$0x4] =	stream.indirect.gather [hbm4b:s1+s12], $0x80, s31, s12, $0xb8;
	[tilespmem:$0x17800] =	vst v63  }
.LBB2_9:
0xb0: {  	_ =	sfence.sel $0x180000  }
0xb1: {  	[bflag:$0x0] =	sbarrier.arrive $0xFFFF  }
0xb2: {  	_ =	strace $0x90000047  }
0xb3: {  	s0 =	stileid.u32;
	[bflag:$0x2] =	sbarrier.arrive $0xFFFF  }
0xb4: {  	p0 =	sne.s32 s0, $0x0;
	s0 =	rddreg [dreg:$0x3]  }
0xb5: {  	s0 =	sadd.s32 @!p0 $0x100000, s0  }
0xb6: {  	[sflag:s0] =	ssyncadd.tile.s32 @!p0 $0x1;
	_ =	shalt  }
.Lfunc_end2:
_tile_overlayer_lowered:
.L_overlay_start_2:
0xb7: {  	(tag) =	ssettag $0x2  }
0xb8: {  	s0 =	rddreg [dreg:$0x0];
	s2 =	stileid.u32  }
0xb9: {  	s1 =	rddreg [dreg:$0x1];
	p0 =	sne.s32 s2, $0x0  }
0xba: {  	s3 =	rddreg [dreg:$0x2];
	[bflag:$0x3] =	sbarrier.arrive $0xFFFF;
	s2 =	simm.s32 @!p0 $0x1C07  }
0xbb: {  	[timem:s3], [sflag:s2] =	dma.local @!p0 [hbm:s0], s1  }
0xbc: {  	s0 =	simm.s32 @!p0 $0x7  }
0xbd: {  	_ =	swait.ge @!p0 [sflag:s0], s1  }
0xbe: {  	s1 =	ssub.s32 @!p0 $0x0, s1;
	[sflag:s0] =	ssyncset.done @!p0 $0x0  }
0xbf: {  	[sflag:s0] =	ssyncadd.s32 @!p0 s1  }
0xc0: {  	[bflag:$0x3] =	sbarrier.arrive $0xFFFF  }
0xc1: {  	_ =	shalt  }

</sc_bundles>
